<compile_context>
chip_gen: v7x
topology: tpu7x:2x2x1
jax: 0.10.2.dev20260603
libtpu: 0.0.44.dev20260713+nightly
codegen_flags: <defaults>
</compile_context>

<pallas_src>
import functools

import jax
import jax.numpy as jnp
from jax import lax
from jax.experimental import pallas as pl
from jax.experimental.pallas import tpu as pltpu
from jax.experimental.pallas import tpu_sc as plsc

NC = 2
NS = 16
NW = NC * NS
L = 16

B = 16384
D = 32
BPW = B // NW
CHUNK = 128
NCHUNK = BPW // CHUNK
GROUPS = BPW // L


def _body(uid_hbm, iid_hbm, ut_hbm, it_hbm, out_hbm,
          idx_u, idx_i, u_rows, i_rows, out_v, sem_u, sem_i):
    wid = lax.axis_index("s") * NC + lax.axis_index("c")
    base = wid * BPW

    pltpu.sync_copy(uid_hbm.at[wid], idx_u)
    pltpu.sync_copy(iid_hbm.at[wid], idx_i)

    copies = []
    for j in range(NCHUNK):
        copies.append(pltpu.async_copy(
            ut_hbm.at[idx_u.at[j]], u_rows.at[pl.ds(j * CHUNK, CHUNK)], sem_u))
        copies.append(pltpu.async_copy(
            it_hbm.at[idx_i.at[j]], i_rows.at[pl.ds(j * CHUNK, CHUNK)], sem_i))
    for cp in copies:
        cp.wait()

    iota = lax.iota(jnp.int32, L)

    def group(g, carry):
        base_row = g * L
        vals = jnp.zeros((L,), jnp.float32)
        for r in range(L):
            row = base_row + r
            prod = (u_rows[row, pl.ds(0, L)] * i_rows[row, pl.ds(0, L)]
                    + u_rows[row, pl.ds(L, L)] * i_rows[row, pl.ds(L, L)])
            vals = jnp.where(iota == r, jnp.sum(prod), vals)
        out_v[pl.ds(base_row, L)] = vals
        return carry

    lax.fori_loop(0, GROUPS, group, None)

    pltpu.sync_copy(out_v, out_hbm.at[pl.ds(base, BPW)])


@functools.cache
def _build():
    return pl.kernel(
        _body,
        out_type=jax.ShapeDtypeStruct((B,), jnp.float32),
        mesh=plsc.VectorSubcoreMesh(core_axis_name="c", subcore_axis_name="s",
                                    num_cores=NC, num_subcores=NS),
        compiler_params=pltpu.CompilerParams(needs_layout_passes=False,
                                             use_tc_tiling_on_sc=False),
        scratch_types=[
            pltpu.VMEM((NCHUNK, CHUNK), jnp.int32),
            pltpu.VMEM((NCHUNK, CHUNK), jnp.int32),
            pltpu.VMEM((BPW, D), jnp.float32),
            pltpu.VMEM((BPW, D), jnp.float32),
            pltpu.VMEM((BPW,), jnp.float32),
            pltpu.SemaphoreType.DMA,
            pltpu.SemaphoreType.DMA,
        ],
    )


@jax.jit
def kernel(user_id, item_id, user_table, item_table):
    uid = user_id.astype(jnp.int32).reshape(NW, NCHUNK, CHUNK)
    iid = item_id.astype(jnp.int32).reshape(NW, NCHUNK, CHUNK)
    return _build()(uid, iid, user_table, item_table)

# --- scband reference (transcript-rebuilt; emitter-appended) ---
"""Pipeline reference for scband-matrix-factorization-61555471286921 (READ-ONLY COPY).

The authoritative reference and input builder live on the scoring server;
editing this copy changes nothing except your own understanding.
"""

import jax, jax.numpy as jnp
import numpy as np

NUM_USERS = 1000000
NUM_ITEMS = 1000000
EMBED_DIM = 32
BATCH = 16384

def setup_inputs(seed: int = 0) -> dict:
    key = jax.random.key(seed)
    k1, k2, k3, k4 = jax.random.split(key, 4)
    user_id = jax.random.randint(k1, (BATCH,), 0, NUM_USERS, dtype=jnp.int64) if jax.config.jax_enable_x64 else jax.random.randint(k1, (BATCH,), 0, NUM_USERS, dtype=jnp.int32)
    item_id = jax.random.randint(k2, (BATCH,), 0, NUM_ITEMS, dtype=user_id.dtype)
    user_table = jax.random.normal(k3, (NUM_USERS, EMBED_DIM), dtype=jnp.float32) * 0.01
    item_table = jax.random.normal(k4, (NUM_ITEMS, EMBED_DIM), dtype=jnp.float32) * 0.01
    return {"user_id": user_id, "item_id": item_id, "user_table": user_table, "item_table": item_table}

def reference(user_id, item_id, user_table, item_table):
    # Embedding lookups (gather)
    user_emb = jnp.take(user_table, user_id, axis=0)  # [B, D]
    item_emb = jnp.take(item_table, item_id, axis=0)  # [B, D]
    element_product = user_emb * item_emb
    output = jnp.sum(element_product, axis=1)  # [B]
    return output

if __name__ == "__main__":
    import jax
    _d = setup_inputs()
    print(jax.jit(kernel)(*tuple(_d.values())))

</pallas_src>

<mosaic_0001>
#map = affine_map<(d0, d1) -> (0, 0, 0)>
#map1 = affine_map<(d0, d1) -> (0, 0)>
#map2 = affine_map<(d0, d1) -> (0)>
module attributes {stable_mosaic.version = 14 : i64} {
  func.func @_body(%arg0: i32, %arg1: i32, %arg2: memref<32x4x128xi32, #tpu.memory_space<hbm>>, %arg3: memref<32x4x128xi32, #tpu.memory_space<hbm>>, %arg4: memref<1000000x32xf32, #tpu.memory_space<hbm>>, %arg5: memref<1000000x32xf32, #tpu.memory_space<hbm>>, %arg6: memref<16384xf32, #tpu.memory_space<hbm>>, %arg7: memref<4x128xi32, #tpu.memory_space<vmem>>, %arg8: memref<4x128xi32, #tpu.memory_space<vmem>>, %arg9: memref<512x32xf32, #tpu.memory_space<vmem>>, %arg10: memref<512x32xf32, #tpu.memory_space<vmem>>, %arg11: memref<512xf32, #tpu.memory_space<vmem>>, %arg12: memref<!tpu.dma_semaphore, #tpu.memory_space<semaphore_mem>>, %arg13: memref<!tpu.dma_semaphore, #tpu.memory_space<semaphore_mem>>) attributes {dimension_semantics = [#tpu.dimension_semantics<core_parallel>, #tpu.dimension_semantics<subcore_parallel>], iteration_bounds = array<i64: 2, 16>, scalar_prefetch = 0 : i64, scratch_operands = 7 : i64, tpu.core_type = #tpu.core_type<sc_vector_subcore>, window_params = [{transform_indices = #map}, {transform_indices = #map}, {transform_indices = #map1}, {transform_indices = #map1}, {transform_indices = #map2}]} {
    %mul3A = arith.constant 2 : i32
    %mul3A_0 = arith.muli %arg1, %mul3A : i32
    %add3A = arith.addi %mul3A_0, %arg0 : i32
    %mul3A_1 = arith.constant 512 : i32
    %mul3A_2 = arith.muli %add3A, %mul3A_1 : i32
    "tpu.region"() ({
      %run_scoped3A = tpu.sem_alloc : memref<!tpu.dma_semaphore, #tpu.memory_space<semaphore_mem>>
      %dma_start3A_165 = arith.constant 0 : i32
      %dma_start3A_166 = arith.constant 0 : i32
      %dma_start3A_167 = tpu.memref_slice %arg2[%add3A, %dma_start3A_165, %dma_start3A_166] : memref<32x4x128xi32, #tpu.memory_space<hbm>> -> memref<1x4x128xi32, #tpu.memory_space<hbm>>
      %dma_start3A_168 = tpu.memref_squeeze %dma_start3A_167 : memref<1x4x128xi32, #tpu.memory_space<hbm>> -> memref<4x128xi32, #tpu.memory_space<hbm>>
      %dma_start3A_169 = arith.constant 0 : i32
      %dma_start3A_170 = arith.constant 0 : i32
      %dma_start3A_171 = tpu.memref_slice %arg2[%add3A, %dma_start3A_169, %dma_start3A_170] : memref<32x4x128xi32, #tpu.memory_space<hbm>> -> memref<1x4x128xi32, #tpu.memory_space<hbm>>
      %dma_start3A_172 = tpu.memref_squeeze %dma_start3A_171 : memref<1x4x128xi32, #tpu.memory_space<hbm>> -> memref<4x128xi32, #tpu.memory_space<hbm>>
      tpu.enqueue_dma source(%dma_start3A_172 : memref<4x128xi32, #tpu.memory_space<hbm>>) target(%arg7 : memref<4x128xi32, #tpu.memory_space<vmem>>) target_semaphore(%run_scoped3A : memref<!tpu.dma_semaphore, #tpu.memory_space<semaphore_mem>>)
      %dma_wait3A_173 = arith.constant 0 : i32
      %dma_wait3A_174 = arith.constant 0 : i32
      %dma_wait3A_175 = tpu.memref_slice %arg2[%add3A, %dma_wait3A_173, %dma_wait3A_174] : memref<32x4x128xi32, #tpu.memory_space<hbm>> -> memref<1x4x128xi32, #tpu.memory_space<hbm>>
      %dma_wait3A_176 = tpu.memref_squeeze %dma_wait3A_175 : memref<1x4x128xi32, #tpu.memory_space<hbm>> -> memref<4x128xi32, #tpu.memory_space<hbm>>
      %dma_wait3A_177 = arith.constant 0 : i32
      %dma_wait3A_178 = arith.constant 0 : i32
      %dma_wait3A_179 = tpu.memref_slice %arg2[%add3A, %dma_wait3A_177, %dma_wait3A_178] : memref<32x4x128xi32, #tpu.memory_space<hbm>> -> memref<1x4x128xi32, #tpu.memory_space<hbm>>
      %dma_wait3A_180 = tpu.memref_squeeze %dma_wait3A_179 : memref<1x4x128xi32, #tpu.memory_space<hbm>> -> memref<4x128xi32, #tpu.memory_space<hbm>>
      tpu.wait_dma2 semaphore(%run_scoped3A : memref<!tpu.dma_semaphore, #tpu.memory_space<semaphore_mem>>) src(%dma_wait3A_180 : memref<4x128xi32, #tpu.memory_space<hbm>>) dst(%arg7 : memref<4x128xi32, #tpu.memory_space<vmem>>)
      tpu.yield
    }) : () -> ()
    "tpu.region"() ({
      %run_scoped3A = tpu.sem_alloc : memref<!tpu.dma_semaphore, #tpu.memory_space<semaphore_mem>>
      %dma_start3A_165 = arith.constant 0 : i32
      %dma_start3A_166 = arith.constant 0 : i32
      %dma_start3A_167 = tpu.memref_slice %arg3[%add3A, %dma_start3A_165, %dma_start3A_166] : memref<32x4x128xi32, #tpu.memory_space<hbm>> -> memref<1x4x128xi32, #tpu.memory_space<hbm>>
      %dma_start3A_168 = tpu.memref_squeeze %dma_start3A_167 : memref<1x4x128xi32, #tpu.memory_space<hbm>> -> memref<4x128xi32, #tpu.memory_space<hbm>>
      %dma_start3A_169 = arith.constant 0 : i32
      %dma_start3A_170 = arith.constant 0 : i32
      %dma_start3A_171 = tpu.memref_slice %arg3[%add3A, %dma_start3A_169, %dma_start3A_170] : memref<32x4x128xi32, #tpu.memory_space<hbm>> -> memref<1x4x128xi32, #tpu.memory_space<hbm>>
      %dma_start3A_172 = tpu.memref_squeeze %dma_start3A_171 : memref<1x4x128xi32, #tpu.memory_space<hbm>> -> memref<4x128xi32, #tpu.memory_space<hbm>>
      tpu.enqueue_dma source(%dma_start3A_172 : memref<4x128xi32, #tpu.memory_space<hbm>>) target(%arg8 : memref<4x128xi32, #tpu.memory_space<vmem>>) target_semaphore(%run_scoped3A : memref<!tpu.dma_semaphore, #tpu.memory_space<semaphore_mem>>)
      %dma_wait3A_173 = arith.constant 0 : i32
      %dma_wait3A_174 = arith.constant 0 : i32
      %dma_wait3A_175 = tpu.memref_slice %arg3[%add3A, %dma_wait3A_173, %dma_wait3A_174] : memref<32x4x128xi32, #tpu.memory_space<hbm>> -> memref<1x4x128xi32, #tpu.memory_space<hbm>>
      %dma_wait3A_176 = tpu.memref_squeeze %dma_wait3A_175 : memref<1x4x128xi32, #tpu.memory_space<hbm>> -> memref<4x128xi32, #tpu.memory_space<hbm>>
      %dma_wait3A_177 = arith.constant 0 : i32
      %dma_wait3A_178 = arith.constant 0 : i32
      %dma_wait3A_179 = tpu.memref_slice %arg3[%add3A, %dma_wait3A_177, %dma_wait3A_178] : memref<32x4x128xi32, #tpu.memory_space<hbm>> -> memref<1x4x128xi32, #tpu.memory_space<hbm>>
      %dma_wait3A_180 = tpu.memref_squeeze %dma_wait3A_179 : memref<1x4x128xi32, #tpu.memory_space<hbm>> -> memref<4x128xi32, #tpu.memory_space<hbm>>
      tpu.wait_dma2 semaphore(%run_scoped3A : memref<!tpu.dma_semaphore, #tpu.memory_space<semaphore_mem>>) src(%dma_wait3A_180 : memref<4x128xi32, #tpu.memory_space<hbm>>) dst(%arg8 : memref<4x128xi32, #tpu.memory_space<vmem>>)
      tpu.yield
    }) : () -> ()
    %dma_start3A = arith.constant 0 : i32
    %dma_start3A_3 = arith.constant 0 : i32
    %dma_start3A_4 = arith.constant 0 : i32
    %dma_start3A_5 = tpu.memref_slice %arg9[%dma_start3A_3, %dma_start3A_4] : memref<512x32xf32, #tpu.memory_space<vmem>> -> memref<128x32xf32, #tpu.memory_space<vmem>>
    %dma_start3A_6 = arith.constant 0 : i32
    %dma_start3A_7 = tpu.memref_slice %arg7[%dma_start3A, %dma_start3A_6] : memref<4x128xi32, #tpu.memory_space<vmem>> -> memref<1x128xi32, #tpu.memory_space<vmem>>
    %dma_start3A_8 = tpu.memref_squeeze %dma_start3A_7 : memref<1x128xi32, #tpu.memory_space<vmem>> -> memref<128xi32, #tpu.memory_space<vmem>>
    %dma_start3A_9 = arith.constant 0 : i32
    %dma_start3A_10 = arith.constant 0 : i32
    %dma_start3A_11 = tpu.memref_slice %arg4[%dma_start3A_9, %dma_start3A_10] : memref<1000000x32xf32, #tpu.memory_space<hbm>> -> memref<1000000x32xf32, #tpu.memory_space<hbm>>
    tpu.enqueue_indirect_dma source(%dma_start3A_11 : memref<1000000x32xf32, #tpu.memory_space<hbm>>) target(%dma_start3A_5 : memref<128x32xf32, #tpu.memory_space<vmem>>) offsets(%dma_start3A_8 : memref<128xi32, #tpu.memory_space<vmem>>) semaphore(%arg12 : memref<!tpu.dma_semaphore, #tpu.memory_space<semaphore_mem>>)
    %dma_start3A_12 = arith.constant 0 : i32
    %dma_start3A_13 = arith.constant 0 : i32
    %dma_start3A_14 = arith.constant 0 : i32
    %dma_start3A_15 = tpu.memref_slice %arg10[%dma_start3A_13, %dma_start3A_14] : memref<512x32xf32, #tpu.memory_space<vmem>> -> memref<128x32xf32, #tpu.memory_space<vmem>>
    %dma_start3A_16 = arith.constant 0 : i32
    %dma_start3A_17 = tpu.memref_slice %arg8[%dma_start3A_12, %dma_start3A_16] : memref<4x128xi32, #tpu.memory_space<vmem>> -> memref<1x128xi32, #tpu.memory_space<vmem>>
    %dma_start3A_18 = tpu.memref_squeeze %dma_start3A_17 : memref<1x128xi32, #tpu.memory_space<vmem>> -> memref<128xi32, #tpu.memory_space<vmem>>
    %dma_start3A_19 = arith.constant 0 : i32
    %dma_start3A_20 = arith.constant 0 : i32
    %dma_start3A_21 = tpu.memref_slice %arg5[%dma_start3A_19, %dma_start3A_20] : memref<1000000x32xf32, #tpu.memory_space<hbm>> -> memref<1000000x32xf32, #tpu.memory_space<hbm>>
    tpu.enqueue_indirect_dma source(%dma_start3A_21 : memref<1000000x32xf32, #tpu.memory_space<hbm>>) target(%dma_start3A_15 : memref<128x32xf32, #tpu.memory_space<vmem>>) offsets(%dma_start3A_18 : memref<128xi32, #tpu.memory_space<vmem>>) semaphore(%arg13 : memref<!tpu.dma_semaphore, #tpu.memory_space<semaphore_mem>>)
    %dma_start3A_22 = arith.constant 1 : i32
    %dma_start3A_23 = arith.constant 128 : i32
    %dma_start3A_24 = arith.constant 0 : i32
    %dma_start3A_25 = tpu.memref_slice %arg9[%dma_start3A_23, %dma_start3A_24] : memref<512x32xf32, #tpu.memory_space<vmem>> -> memref<128x32xf32, #tpu.memory_space<vmem>>
    %dma_start3A_26 = arith.constant 0 : i32
    %dma_start3A_27 = tpu.memref_slice %arg7[%dma_start3A_22, %dma_start3A_26] : memref<4x128xi32, #tpu.memory_space<vmem>> -> memref<1x128xi32, #tpu.memory_space<vmem>>
    %dma_start3A_28 = tpu.memref_squeeze %dma_start3A_27 : memref<1x128xi32, #tpu.memory_space<vmem>> -> memref<128xi32, #tpu.memory_space<vmem>>
    %dma_start3A_29 = arith.constant 0 : i32
    %dma_start3A_30 = arith.constant 0 : i32
    %dma_start3A_31 = tpu.memref_slice %arg4[%dma_start3A_29, %dma_start3A_30] : memref<1000000x32xf32, #tpu.memory_space<hbm>> -> memref<1000000x32xf32, #tpu.memory_space<hbm>>
    tpu.enqueue_indirect_dma source(%dma_start3A_31 : memref<1000000x32xf32, #tpu.memory_space<hbm>>) target(%dma_start3A_25 : memref<128x32xf32, #tpu.memory_space<vmem>>) offsets(%dma_start3A_28 : memref<128xi32, #tpu.memory_space<vmem>>) semaphore(%arg12 : memref<!tpu.dma_semaphore, #tpu.memory_space<semaphore_mem>>)
    %dma_start3A_32 = arith.constant 1 : i32
    %dma_start3A_33 = arith.constant 128 : i32
    %dma_start3A_34 = arith.constant 0 : i32
    %dma_start3A_35 = tpu.memref_slice %arg10[%dma_start3A_33, %dma_start3A_34] : memref<512x32xf32, #tpu.memory_space<vmem>> -> memref<128x32xf32, #tpu.memory_space<vmem>>
    %dma_start3A_36 = arith.constant 0 : i32
    %dma_start3A_37 = tpu.memref_slice %arg8[%dma_start3A_32, %dma_start3A_36] : memref<4x128xi32, #tpu.memory_space<vmem>> -> memref<1x128xi32, #tpu.memory_space<vmem>>
    %dma_start3A_38 = tpu.memref_squeeze %dma_start3A_37 : memref<1x128xi32, #tpu.memory_space<vmem>> -> memref<128xi32, #tpu.memory_space<vmem>>
    %dma_start3A_39 = arith.constant 0 : i32
    %dma_start3A_40 = arith.constant 0 : i32
    %dma_start3A_41 = tpu.memref_slice %arg5[%dma_start3A_39, %dma_start3A_40] : memref<1000000x32xf32, #tpu.memory_space<hbm>> -> memref<1000000x32xf32, #tpu.memory_space<hbm>>
    tpu.enqueue_indirect_dma source(%dma_start3A_41 : memref<1000000x32xf32, #tpu.memory_space<hbm>>) target(%dma_start3A_35 : memref<128x32xf32, #tpu.memory_space<vmem>>) offsets(%dma_start3A_38 : memref<128xi32, #tpu.memory_space<vmem>>) semaphore(%arg13 : memref<!tpu.dma_semaphore, #tpu.memory_space<semaphore_mem>>)
    %dma_start3A_42 = arith.constant 2 : i32
    %dma_start3A_43 = arith.constant 256 : i32
    %dma_start3A_44 = arith.constant 0 : i32
    %dma_start3A_45 = tpu.memref_slice %arg9[%dma_start3A_43, %dma_start3A_44] : memref<512x32xf32, #tpu.memory_space<vmem>> -> memref<128x32xf32, #tpu.memory_space<vmem>>
    %dma_start3A_46 = arith.constant 0 : i32
    %dma_start3A_47 = tpu.memref_slice %arg7[%dma_start3A_42, %dma_start3A_46] : memref<4x128xi32, #tpu.memory_space<vmem>> -> memref<1x128xi32, #tpu.memory_space<vmem>>
    %dma_start3A_48 = tpu.memref_squeeze %dma_start3A_47 : memref<1x128xi32, #tpu.memory_space<vmem>> -> memref<128xi32, #tpu.memory_space<vmem>>
    %dma_start3A_49 = arith.constant 0 : i32
    %dma_start3A_50 = arith.constant 0 : i32
    %dma_start3A_51 = tpu.memref_slice %arg4[%dma_start3A_49, %dma_start3A_50] : memref<1000000x32xf32, #tpu.memory_space<hbm>> -> memref<1000000x32xf32, #tpu.memory_space<hbm>>
    tpu.enqueue_indirect_dma source(%dma_start3A_51 : memref<1000000x32xf32, #tpu.memory_space<hbm>>) target(%dma_start3A_45 : memref<128x32xf32, #tpu.memory_space<vmem>>) offsets(%dma_start3A_48 : memref<128xi32, #tpu.memory_space<vmem>>) semaphore(%arg12 : memref<!tpu.dma_semaphore, #tpu.memory_space<semaphore_mem>>)
    %dma_start3A_52 = arith.constant 2 : i32
    %dma_start3A_53 = arith.constant 256 : i32
    %dma_start3A_54 = arith.constant 0 : i32
    %dma_start3A_55 = tpu.memref_slice %arg10[%dma_start3A_53, %dma_start3A_54] : memref<512x32xf32, #tpu.memory_space<vmem>> -> memref<128x32xf32, #tpu.memory_space<vmem>>
    %dma_start3A_56 = arith.constant 0 : i32
    %dma_start3A_57 = tpu.memref_slice %arg8[%dma_start3A_52, %dma_start3A_56] : memref<4x128xi32, #tpu.memory_space<vmem>> -> memref<1x128xi32, #tpu.memory_space<vmem>>
    %dma_start3A_58 = tpu.memref_squeeze %dma_start3A_57 : memref<1x128xi32, #tpu.memory_space<vmem>> -> memref<128xi32, #tpu.memory_space<vmem>>
    %dma_start3A_59 = arith.constant 0 : i32
    %dma_start3A_60 = arith.constant 0 : i32
    %dma_start3A_61 = tpu.memref_slice %arg5[%dma_start3A_59, %dma_start3A_60] : memref<1000000x32xf32, #tpu.memory_space<hbm>> -> memref<1000000x32xf32, #tpu.memory_space<hbm>>
    tpu.enqueue_indirect_dma source(%dma_start3A_61 : memref<1000000x32xf32, #tpu.memory_space<hbm>>) target(%dma_start3A_55 : memref<128x32xf32, #tpu.memory_space<vmem>>) offsets(%dma_start3A_58 : memref<128xi32, #tpu.memory_space<vmem>>) semaphore(%arg13 : memref<!tpu.dma_semaphore, #tpu.memory_space<semaphore_mem>>)
    %dma_start3A_62 = arith.constant 3 : i32
    %dma_start3A_63 = arith.constant 384 : i32
    %dma_start3A_64 = arith.constant 0 : i32
    %dma_start3A_65 = tpu.memref_slice %arg9[%dma_start3A_63, %dma_start3A_64] : memref<512x32xf32, #tpu.memory_space<vmem>> -> memref<128x32xf32, #tpu.memory_space<vmem>>
    %dma_start3A_66 = arith.constant 0 : i32
    %dma_start3A_67 = tpu.memref_slice %arg7[%dma_start3A_62, %dma_start3A_66] : memref<4x128xi32, #tpu.memory_space<vmem>> -> memref<1x128xi32, #tpu.memory_space<vmem>>
    %dma_start3A_68 = tpu.memref_squeeze %dma_start3A_67 : memref<1x128xi32, #tpu.memory_space<vmem>> -> memref<128xi32, #tpu.memory_space<vmem>>
    %dma_start3A_69 = arith.constant 0 : i32
    %dma_start3A_70 = arith.constant 0 : i32
    %dma_start3A_71 = tpu.memref_slice %arg4[%dma_start3A_69, %dma_start3A_70] : memref<1000000x32xf32, #tpu.memory_space<hbm>> -> memref<1000000x32xf32, #tpu.memory_space<hbm>>
    tpu.enqueue_indirect_dma source(%dma_start3A_71 : memref<1000000x32xf32, #tpu.memory_space<hbm>>) target(%dma_start3A_65 : memref<128x32xf32, #tpu.memory_space<vmem>>) offsets(%dma_start3A_68 : memref<128xi32, #tpu.memory_space<vmem>>) semaphore(%arg12 : memref<!tpu.dma_semaphore, #tpu.memory_space<semaphore_mem>>)
    %dma_start3A_72 = arith.constant 3 : i32
    %dma_start3A_73 = arith.constant 384 : i32
    %dma_start3A_74 = arith.constant 0 : i32
    %dma_start3A_75 = tpu.memref_slice %arg10[%dma_start3A_73, %dma_start3A_74] : memref<512x32xf32, #tpu.memory_space<vmem>> -> memref<128x32xf32, #tpu.memory_space<vmem>>
    %dma_start3A_76 = arith.constant 0 : i32
    %dma_start3A_77 = tpu.memref_slice %arg8[%dma_start3A_72, %dma_start3A_76] : memref<4x128xi32, #tpu.memory_space<vmem>> -> memref<1x128xi32, #tpu.memory_space<vmem>>
    %dma_start3A_78 = tpu.memref_squeeze %dma_start3A_77 : memref<1x128xi32, #tpu.memory_space<vmem>> -> memref<128xi32, #tpu.memory_space<vmem>>
    %dma_start3A_79 = arith.constant 0 : i32
    %dma_start3A_80 = arith.constant 0 : i32
    %dma_start3A_81 = tpu.memref_slice %arg5[%dma_start3A_79, %dma_start3A_80] : memref<1000000x32xf32, #tpu.memory_space<hbm>> -> memref<1000000x32xf32, #tpu.memory_space<hbm>>
    tpu.enqueue_indirect_dma source(%dma_start3A_81 : memref<1000000x32xf32, #tpu.memory_space<hbm>>) target(%dma_start3A_75 : memref<128x32xf32, #tpu.memory_space<vmem>>) offsets(%dma_start3A_78 : memref<128xi32, #tpu.memory_space<vmem>>) semaphore(%arg13 : memref<!tpu.dma_semaphore, #tpu.memory_space<semaphore_mem>>)
    %dma_wait3A = arith.constant 0 : i32
    %dma_wait3A_82 = arith.constant 0 : i32
    %dma_wait3A_83 = arith.constant 0 : i32
    %dma_wait3A_84 = tpu.memref_slice %arg9[%dma_wait3A_82, %dma_wait3A_83] : memref<512x32xf32, #tpu.memory_space<vmem>> -> memref<128x32xf32, #tpu.memory_space<vmem>>
    %dma_wait3A_85 = arith.constant 0 : i32
    %dma_wait3A_86 = tpu.memref_slice %arg7[%dma_wait3A, %dma_wait3A_85] : memref<4x128xi32, #tpu.memory_space<vmem>> -> memref<1x128xi32, #tpu.memory_space<vmem>>
    %dma_wait3A_87 = tpu.memref_squeeze %dma_wait3A_86 : memref<1x128xi32, #tpu.memory_space<vmem>> -> memref<128xi32, #tpu.memory_space<vmem>>
    %dma_wait3A_88 = arith.constant 0 : i32
    %dma_wait3A_89 = arith.constant 0 : i32
    %dma_wait3A_90 = tpu.memref_slice %arg4[%dma_wait3A_88, %dma_wait3A_89] : memref<1000000x32xf32, #tpu.memory_space<hbm>> -> memref<1000000x32xf32, #tpu.memory_space<hbm>>
    tpu.wait_indirect_dma semaphore(%arg12 : memref<!tpu.dma_semaphore, #tpu.memory_space<semaphore_mem>>) src(%dma_wait3A_90 : memref<1000000x32xf32, #tpu.memory_space<hbm>>) dst(%dma_wait3A_84 : memref<128x32xf32, #tpu.memory_space<vmem>>)
    %dma_wait3A_91 = arith.constant 0 : i32
    %dma_wait3A_92 = arith.constant 0 : i32
    %dma_wait3A_93 = arith.constant 0 : i32
    %dma_wait3A_94 = tpu.memref_slice %arg10[%dma_wait3A_92, %dma_wait3A_93] : memref<512x32xf32, #tpu.memory_space<vmem>> -> memref<128x32xf32, #tpu.memory_space<vmem>>
    %dma_wait3A_95 = arith.constant 0 : i32
    %dma_wait3A_96 = tpu.memref_slice %arg8[%dma_wait3A_91, %dma_wait3A_95] : memref<4x128xi32, #tpu.memory_space<vmem>> -> memref<1x128xi32, #tpu.memory_space<vmem>>
    %dma_wait3A_97 = tpu.memref_squeeze %dma_wait3A_96 : memref<1x128xi32, #tpu.memory_space<vmem>> -> memref<128xi32, #tpu.memory_space<vmem>>
    %dma_wait3A_98 = arith.constant 0 : i32
    %dma_wait3A_99 = arith.constant 0 : i32
    %dma_wait3A_100 = tpu.memref_slice %arg5[%dma_wait3A_98, %dma_wait3A_99] : memref<1000000x32xf32, #tpu.memory_space<hbm>> -> memref<1000000x32xf32, #tpu.memory_space<hbm>>
    tpu.wait_indirect_dma semaphore(%arg13 : memref<!tpu.dma_semaphore, #tpu.memory_space<semaphore_mem>>) src(%dma_wait3A_100 : memref<1000000x32xf32, #tpu.memory_space<hbm>>) dst(%dma_wait3A_94 : memref<128x32xf32, #tpu.memory_space<vmem>>)
    %dma_wait3A_101 = arith.constant 1 : i32
    %dma_wait3A_102 = arith.constant 128 : i32
    %dma_wait3A_103 = arith.constant 0 : i32
    %dma_wait3A_104 = tpu.memref_slice %arg9[%dma_wait3A_102, %dma_wait3A_103] : memref<512x32xf32, #tpu.memory_space<vmem>> -> memref<128x32xf32, #tpu.memory_space<vmem>>
    %dma_wait3A_105 = arith.constant 0 : i32
    %dma_wait3A_106 = tpu.memref_slice %arg7[%dma_wait3A_101, %dma_wait3A_105] : memref<4x128xi32, #tpu.memory_space<vmem>> -> memref<1x128xi32, #tpu.memory_space<vmem>>
    %dma_wait3A_107 = tpu.memref_squeeze %dma_wait3A_106 : memref<1x128xi32, #tpu.memory_space<vmem>> -> memref<128xi32, #tpu.memory_space<vmem>>
    %dma_wait3A_108 = arith.constant 0 : i32
    %dma_wait3A_109 = arith.constant 0 : i32
    %dma_wait3A_110 = tpu.memref_slice %arg4[%dma_wait3A_108, %dma_wait3A_109] : memref<1000000x32xf32, #tpu.memory_space<hbm>> -> memref<1000000x32xf32, #tpu.memory_space<hbm>>
    tpu.wait_indirect_dma semaphore(%arg12 : memref<!tpu.dma_semaphore, #tpu.memory_space<semaphore_mem>>) src(%dma_wait3A_110 : memref<1000000x32xf32, #tpu.memory_space<hbm>>) dst(%dma_wait3A_104 : memref<128x32xf32, #tpu.memory_space<vmem>>)
    %dma_wait3A_111 = arith.constant 1 : i32
    %dma_wait3A_112 = arith.constant 128 : i32
    %dma_wait3A_113 = arith.constant 0 : i32
    %dma_wait3A_114 = tpu.memref_slice %arg10[%dma_wait3A_112, %dma_wait3A_113] : memref<512x32xf32, #tpu.memory_space<vmem>> -> memref<128x32xf32, #tpu.memory_space<vmem>>
    %dma_wait3A_115 = arith.constant 0 : i32
    %dma_wait3A_116 = tpu.memref_slice %arg8[%dma_wait3A_111, %dma_wait3A_115] : memref<4x128xi32, #tpu.memory_space<vmem>> -> memref<1x128xi32, #tpu.memory_space<vmem>>
    %dma_wait3A_117 = tpu.memref_squeeze %dma_wait3A_116 : memref<1x128xi32, #tpu.memory_space<vmem>> -> memref<128xi32, #tpu.memory_space<vmem>>
    %dma_wait3A_118 = arith.constant 0 : i32
    %dma_wait3A_119 = arith.constant 0 : i32
    %dma_wait3A_120 = tpu.memref_slice %arg5[%dma_wait3A_118, %dma_wait3A_119] : memref<1000000x32xf32, #tpu.memory_space<hbm>> -> memref<1000000x32xf32, #tpu.memory_space<hbm>>
    tpu.wait_indirect_dma semaphore(%arg13 : memref<!tpu.dma_semaphore, #tpu.memory_space<semaphore_mem>>) src(%dma_wait3A_120 : memref<1000000x32xf32, #tpu.memory_space<hbm>>) dst(%dma_wait3A_114 : memref<128x32xf32, #tpu.memory_space<vmem>>)
    %dma_wait3A_121 = arith.constant 2 : i32
    %dma_wait3A_122 = arith.constant 256 : i32
    %dma_wait3A_123 = arith.constant 0 : i32
    %dma_wait3A_124 = tpu.memref_slice %arg9[%dma_wait3A_122, %dma_wait3A_123] : memref<512x32xf32, #tpu.memory_space<vmem>> -> memref<128x32xf32, #tpu.memory_space<vmem>>
    %dma_wait3A_125 = arith.constant 0 : i32
    %dma_wait3A_126 = tpu.memref_slice %arg7[%dma_wait3A_121, %dma_wait3A_125] : memref<4x128xi32, #tpu.memory_space<vmem>> -> memref<1x128xi32, #tpu.memory_space<vmem>>
    %dma_wait3A_127 = tpu.memref_squeeze %dma_wait3A_126 : memref<1x128xi32, #tpu.memory_space<vmem>> -> memref<128xi32, #tpu.memory_space<vmem>>
    %dma_wait3A_128 = arith.constant 0 : i32
    %dma_wait3A_129 = arith.constant 0 : i32
    %dma_wait3A_130 = tpu.memref_slice %arg4[%dma_wait3A_128, %dma_wait3A_129] : memref<1000000x32xf32, #tpu.memory_space<hbm>> -> memref<1000000x32xf32, #tpu.memory_space<hbm>>
    tpu.wait_indirect_dma semaphore(%arg12 : memref<!tpu.dma_semaphore, #tpu.memory_space<semaphore_mem>>) src(%dma_wait3A_130 : memref<1000000x32xf32, #tpu.memory_space<hbm>>) dst(%dma_wait3A_124 : memref<128x32xf32, #tpu.memory_space<vmem>>)
    %dma_wait3A_131 = arith.constant 2 : i32
    %dma_wait3A_132 = arith.constant 256 : i32
    %dma_wait3A_133 = arith.constant 0 : i32
    %dma_wait3A_134 = tpu.memref_slice %arg10[%dma_wait3A_132, %dma_wait3A_133] : memref<512x32xf32, #tpu.memory_space<vmem>> -> memref<128x32xf32, #tpu.memory_space<vmem>>
    %dma_wait3A_135 = arith.constant 0 : i32
    %dma_wait3A_136 = tpu.memref_slice %arg8[%dma_wait3A_131, %dma_wait3A_135] : memref<4x128xi32, #tpu.memory_space<vmem>> -> memref<1x128xi32, #tpu.memory_space<vmem>>
    %dma_wait3A_137 = tpu.memref_squeeze %dma_wait3A_136 : memref<1x128xi32, #tpu.memory_space<vmem>> -> memref<128xi32, #tpu.memory_space<vmem>>
    %dma_wait3A_138 = arith.constant 0 : i32
    %dma_wait3A_139 = arith.constant 0 : i32
    %dma_wait3A_140 = tpu.memref_slice %arg5[%dma_wait3A_138, %dma_wait3A_139] : memref<1000000x32xf32, #tpu.memory_space<hbm>> -> memref<1000000x32xf32, #tpu.memory_space<hbm>>
    tpu.wait_indirect_dma semaphore(%arg13 : memref<!tpu.dma_semaphore, #tpu.memory_space<semaphore_mem>>) src(%dma_wait3A_140 : memref<1000000x32xf32, #tpu.memory_space<hbm>>) dst(%dma_wait3A_134 : memref<128x32xf32, #tpu.memory_space<vmem>>)
    %dma_wait3A_141 = arith.constant 3 : i32
    %dma_wait3A_142 = arith.constant 384 : i32
    %dma_wait3A_143 = arith.constant 0 : i32
    %dma_wait3A_144 = tpu.memref_slice %arg9[%dma_wait3A_142, %dma_wait3A_143] : memref<512x32xf32, #tpu.memory_space<vmem>> -> memref<128x32xf32, #tpu.memory_space<vmem>>
    %dma_wait3A_145 = arith.constant 0 : i32
    %dma_wait3A_146 = tpu.memref_slice %arg7[%dma_wait3A_141, %dma_wait3A_145] : memref<4x128xi32, #tpu.memory_space<vmem>> -> memref<1x128xi32, #tpu.memory_space<vmem>>
    %dma_wait3A_147 = tpu.memref_squeeze %dma_wait3A_146 : memref<1x128xi32, #tpu.memory_space<vmem>> -> memref<128xi32, #tpu.memory_space<vmem>>
    %dma_wait3A_148 = arith.constant 0 : i32
    %dma_wait3A_149 = arith.constant 0 : i32
    %dma_wait3A_150 = tpu.memref_slice %arg4[%dma_wait3A_148, %dma_wait3A_149] : memref<1000000x32xf32, #tpu.memory_space<hbm>> -> memref<1000000x32xf32, #tpu.memory_space<hbm>>
    tpu.wait_indirect_dma semaphore(%arg12 : memref<!tpu.dma_semaphore, #tpu.memory_space<semaphore_mem>>) src(%dma_wait3A_150 : memref<1000000x32xf32, #tpu.memory_space<hbm>>) dst(%dma_wait3A_144 : memref<128x32xf32, #tpu.memory_space<vmem>>)
    %dma_wait3A_151 = arith.constant 3 : i32
    %dma_wait3A_152 = arith.constant 384 : i32
    %dma_wait3A_153 = arith.constant 0 : i32
    %dma_wait3A_154 = tpu.memref_slice %arg10[%dma_wait3A_152, %dma_wait3A_153] : memref<512x32xf32, #tpu.memory_space<vmem>> -> memref<128x32xf32, #tpu.memory_space<vmem>>
    %dma_wait3A_155 = arith.constant 0 : i32
    %dma_wait3A_156 = tpu.memref_slice %arg8[%dma_wait3A_151, %dma_wait3A_155] : memref<4x128xi32, #tpu.memory_space<vmem>> -> memref<1x128xi32, #tpu.memory_space<vmem>>
    %dma_wait3A_157 = tpu.memref_squeeze %dma_wait3A_156 : memref<1x128xi32, #tpu.memory_space<vmem>> -> memref<128xi32, #tpu.memory_space<vmem>>
    %dma_wait3A_158 = arith.constant 0 : i32
    %dma_wait3A_159 = arith.constant 0 : i32
    %dma_wait3A_160 = tpu.memref_slice %arg5[%dma_wait3A_158, %dma_wait3A_159] : memref<1000000x32xf32, #tpu.memory_space<hbm>> -> memref<1000000x32xf32, #tpu.memory_space<hbm>>
    tpu.wait_indirect_dma semaphore(%arg13 : memref<!tpu.dma_semaphore, #tpu.memory_space<semaphore_mem>>) src(%dma_wait3A_160 : memref<1000000x32xf32, #tpu.memory_space<hbm>>) dst(%dma_wait3A_154 : memref<128x32xf32, #tpu.memory_space<vmem>>)
    %iota3A = tpu.iota {dimensions = array<i32: 0>} : vector<16xi32>
    %scan3A = arith.constant 0 : i32
    %scan3A_161 = arith.constant 32 : i32
    %scan3A_162 = arith.addi %scan3A, %scan3A_161 : i32
    %scan3A_163 = arith.constant 1 : i32
    scf.for %scan3A_165 = %scan3A to %scan3A_162 step %scan3A_163  : i32 {
      %mul3A_166 = arith.constant 16 : i32
      %mul3A_167 = arith.muli %scan3A_165, %mul3A_166 : i32
      %broadcast_in_dim3A = arith.constant 0.000000e+00 : f32
      %broadcast_in_dim3A_168 = vector.broadcast %broadcast_in_dim3A : f32 to vector<16xf32>
      %add3A_169 = arith.constant 0 : i32
      %add3A_170 = arith.addi %mul3A_167, %add3A_169 : i32
      %get3A = arith.index_cast %add3A_170 : i32 to index
      %get3A_171 = arith.constant 0 : index
      %get3A_172 = tpu.vector_load %arg9[%get3A, %get3A_171] {strides = array<i32>} : memref<512x32xf32, #tpu.memory_space<vmem>>, vector<16xf32>,
      %get3A_173 = arith.index_cast %add3A_170 : i32 to index
      %get3A_174 = arith.constant 0 : index
      %get3A_175 = tpu.vector_load %arg10[%get3A_173, %get3A_174] {strides = array<i32>} : memref<512x32xf32, #tpu.memory_space<vmem>>, vector<16xf32>,
      %mul3A_176 = arith.mulf %get3A_172, %get3A_175 : vector<16xf32>
      %get3A_177 = arith.index_cast %add3A_170 : i32 to index
      %get3A_178 = arith.constant 16 : index
      %get3A_179 = tpu.vector_load %arg9[%get3A_177, %get3A_178] {strides = array<i32>} : memref<512x32xf32, #tpu.memory_space<vmem>>, vector<16xf32>,
      %get3A_180 = arith.index_cast %add3A_170 : i32 to index
      %get3A_181 = arith.constant 16 : index
      %get3A_182 = tpu.vector_load %arg10[%get3A_180, %get3A_181] {strides = array<i32>} : memref<512x32xf32, #tpu.memory_space<vmem>>, vector<16xf32>,
      %mul3A_183 = arith.mulf %get3A_179, %get3A_182 : vector<16xf32>
      %add3A_184 = arith.addf %mul3A_176, %mul3A_183 : vector<16xf32>
      %eq3A = arith.constant 0 : i32
      %eq3A_185 = vector.broadcast %eq3A : i32 to vector<16xi32>
      %eq3A_186 = arith.cmpi eq, %iota3A, %eq3A_185 : vector<16xi32>
      %reduce_sum3A = arith.constant true
      %reduce_sum3A_187 = vector.broadcast %reduce_sum3A : i1 to vector<16xi1>
      %reduce_sum3A_188 = tpu.scan <sum>, %add3A_184 masked %reduce_sum3A_187 : vector<16xf32>, vector<16xi1> -> vector<16xf32>
      %reduce_sum3A_189 = vector.extract %reduce_sum3A_188[15] : f32 from vector<16xf32>
      %broadcast_in_dim3A_190 = vector.broadcast %reduce_sum3A_189 : f32 to vector<16xf32>
      %select_n3A = arith.select %eq3A_186, %broadcast_in_dim3A_190, %broadcast_in_dim3A_168 : vector<16xi1>, vector<16xf32>
      %add3A_191 = arith.constant 1 : i32
      %add3A_192 = arith.addi %mul3A_167, %add3A_191 : i32
      %get3A_193 = arith.index_cast %add3A_192 : i32 to index
      %get3A_194 = arith.constant 0 : index
      %get3A_195 = tpu.vector_load %arg9[%get3A_193, %get3A_194] {strides = array<i32>} : memref<512x32xf32, #tpu.memory_space<vmem>>, vector<16xf32>,
      %get3A_196 = arith.index_cast %add3A_192 : i32 to index
      %get3A_197 = arith.constant 0 : index
      %get3A_198 = tpu.vector_load %arg10[%get3A_196, %get3A_197] {strides = array<i32>} : memref<512x32xf32, #tpu.memory_space<vmem>>, vector<16xf32>,
      %mul3A_199 = arith.mulf %get3A_195, %get3A_198 : vector<16xf32>
      %get3A_200 = arith.index_cast %add3A_192 : i32 to index
      %get3A_201 = arith.constant 16 : index
      %get3A_202 = tpu.vector_load %arg9[%get3A_200, %get3A_201] {strides = array<i32>} : memref<512x32xf32, #tpu.memory_space<vmem>>, vector<16xf32>,
      %get3A_203 = arith.index_cast %add3A_192 : i32 to index
      %get3A_204 = arith.constant 16 : index
      %get3A_205 = tpu.vector_load %arg10[%get3A_203, %get3A_204] {strides = array<i32>} : memref<512x32xf32, #tpu.memory_space<vmem>>, vector<16xf32>,
      %mul3A_206 = arith.mulf %get3A_202, %get3A_205 : vector<16xf32>
      %add3A_207 = arith.addf %mul3A_199, %mul3A_206 : vector<16xf32>
      %eq3A_208 = arith.constant 1 : i32
      %eq3A_209 = vector.broadcast %eq3A_208 : i32 to vector<16xi32>
      %eq3A_210 = arith.cmpi eq, %iota3A, %eq3A_209 : vector<16xi32>
      %reduce_sum3A_211 = arith.constant true
      %reduce_sum3A_212 = vector.broadcast %reduce_sum3A_211 : i1 to vector<16xi1>
      %reduce_sum3A_213 = tpu.scan <sum>, %add3A_207 masked %reduce_sum3A_212 : vector<16xf32>, vector<16xi1> -> vector<16xf32>
      %reduce_sum3A_214 = vector.extract %reduce_sum3A_213[15] : f32 from vector<16xf32>
      %broadcast_in_dim3A_215 = vector.broadcast %reduce_sum3A_214 : f32 to vector<16xf32>
      %select_n3A_216 = arith.select %eq3A_210, %broadcast_in_dim3A_215, %select_n3A : vector<16xi1>, vector<16xf32>
      %add3A_217 = arith.constant 2 : i32
      %add3A_218 = arith.addi %mul3A_167, %add3A_217 : i32
      %get3A_219 = arith.index_cast %add3A_218 : i32 to index
      %get3A_220 = arith.constant 0 : index
      %get3A_221 = tpu.vector_load %arg9[%get3A_219, %get3A_220] {strides = array<i32>} : memref<512x32xf32, #tpu.memory_space<vmem>>, vector<16xf32>,
      %get3A_222 = arith.index_cast %add3A_218 : i32 to index
      %get3A_223 = arith.constant 0 : index
      %get3A_224 = tpu.vector_load %arg10[%get3A_222, %get3A_223] {strides = array<i32>} : memref<512x32xf32, #tpu.memory_space<vmem>>, vector<16xf32>,
      %mul3A_225 = arith.mulf %get3A_221, %get3A_224 : vector<16xf32>
      %get3A_226 = arith.index_cast %add3A_218 : i32 to index
      %get3A_227 = arith.constant 16 : index
      %get3A_228 = tpu.vector_load %arg9[%get3A_226, %get3A_227] {strides = array<i32>} : memref<512x32xf32, #tpu.memory_space<vmem>>, vector<16xf32>,
      %get3A_229 = arith.index_cast %add3A_218 : i32 to index
      %get3A_230 = arith.constant 16 : index
      %get3A_231 = tpu.vector_load %arg10[%get3A_229, %get3A_230] {strides = array<i32>} : memref<512x32xf32, #tpu.memory_space<vmem>>, vector<16xf32>,
      %mul3A_232 = arith.mulf %get3A_228, %get3A_231 : vector<16xf32>
      %add3A_233 = arith.addf %mul3A_225, %mul3A_232 : vector<16xf32>
      %eq3A_234 = arith.constant 2 : i32
      %eq3A_235 = vector.broadcast %eq3A_234 : i32 to vector<16xi32>
      %eq3A_236 = arith.cmpi eq, %iota3A, %eq3A_235 : vector<16xi32>
      %reduce_sum3A_237 = arith.constant true
      %reduce_sum3A_238 = vector.broadcast %reduce_sum3A_237 : i1 to vector<16xi1>
      %reduce_sum3A_239 = tpu.scan <sum>, %add3A_233 masked %reduce_sum3A_238 : vector<16xf32>, vector<16xi1> -> vector<16xf32>
      %reduce_sum3A_240 = vector.extract %reduce_sum3A_239[15] : f32 from vector<16xf32>
      %broadcast_in_dim3A_241 = vector.broadcast %reduce_sum3A_240 : f32 to vector<16xf32>
      %select_n3A_242 = arith.select %eq3A_236, %broadcast_in_dim3A_241, %select_n3A_216 : vector<16xi1>, vector<16xf32>
      %add3A_243 = arith.constant 3 : i32
      %add3A_244 = arith.addi %mul3A_167, %add3A_243 : i32
      %get3A_245 = arith.index_cast %add3A_244 : i32 to index
      %get3A_246 = arith.constant 0 : index
      %get3A_247 = tpu.vector_load %arg9[%get3A_245, %get3A_246] {strides = array<i32>} : memref<512x32xf32, #tpu.memory_space<vmem>>, vector<16xf32>,
      %get3A_248 = arith.index_cast %add3A_244 : i32 to index
      %get3A_249 = arith.constant 0 : index
      %get3A_250 = tpu.vector_load %arg10[%get3A_248, %get3A_249] {strides = array<i32>} : memref<512x32xf32, #tpu.memory_space<vmem>>, vector<16xf32>,
      %mul3A_251 = arith.mulf %get3A_247, %get3A_250 : vector<16xf32>
      %get3A_252 = arith.index_cast %add3A_244 : i32 to index
      %get3A_253 = arith.constant 16 : index
      %get3A_254 = tpu.vector_load %arg9[%get3A_252, %get3A_253] {strides = array<i32>} : memref<512x32xf32, #tpu.memory_space<vmem>>, vector<16xf32>,
      %get3A_255 = arith.index_cast %add3A_244 : i32 to index
      %get3A_256 = arith.constant 16 : index
      %get3A_257 = tpu.vector_load %arg10[%get3A_255, %get3A_256] {strides = array<i32>} : memref<512x32xf32, #tpu.memory_space<vmem>>, vector<16xf32>,
      %mul3A_258 = arith.mulf %get3A_254, %get3A_257 : vector<16xf32>
      %add3A_259 = arith.addf %mul3A_251, %mul3A_258 : vector<16xf32>
      %eq3A_260 = arith.constant 3 : i32
      %eq3A_261 = vector.broadcast %eq3A_260 : i32 to vector<16xi32>
      %eq3A_262 = arith.cmpi eq, %iota3A, %eq3A_261 : vector<16xi32>
      %reduce_sum3A_263 = arith.constant true
      %reduce_sum3A_264 = vector.broadcast %reduce_sum3A_263 : i1 to vector<16xi1>
      %reduce_sum3A_265 = tpu.scan <sum>, %add3A_259 masked %reduce_sum3A_264 : vector<16xf32>, vector<16xi1> -> vector<16xf32>
      %reduce_sum3A_266 = vector.extract %reduce_sum3A_265[15] : f32 from vector<16xf32>
      %broadcast_in_dim3A_267 = vector.broadcast %reduce_sum3A_266 : f32 to vector<16xf32>
      %select_n3A_268 = arith.select %eq3A_262, %broadcast_in_dim3A_267, %select_n3A_242 : vector<16xi1>, vector<16xf32>
      %add3A_269 = arith.constant 4 : i32
      %add3A_270 = arith.addi %mul3A_167, %add3A_269 : i32
      %get3A_271 = arith.index_cast %add3A_270 : i32 to index
      %get3A_272 = arith.constant 0 : index
      %get3A_273 = tpu.vector_load %arg9[%get3A_271, %get3A_272] {strides = array<i32>} : memref<512x32xf32, #tpu.memory_space<vmem>>, vector<16xf32>,
      %get3A_274 = arith.index_cast %add3A_270 : i32 to index
      %get3A_275 = arith.constant 0 : index
      %get3A_276 = tpu.vector_load %arg10[%get3A_274, %get3A_275] {strides = array<i32>} : memref<512x32xf32, #tpu.memory_space<vmem>>, vector<16xf32>,
      %mul3A_277 = arith.mulf %get3A_273, %get3A_276 : vector<16xf32>
      %get3A_278 = arith.index_cast %add3A_270 : i32 to index
      %get3A_279 = arith.constant 16 : index
      %get3A_280 = tpu.vector_load %arg9[%get3A_278, %get3A_279] {strides = array<i32>} : memref<512x32xf32, #tpu.memory_space<vmem>>, vector<16xf32>,
      %get3A_281 = arith.index_cast %add3A_270 : i32 to index
      %get3A_282 = arith.constant 16 : index
      %get3A_283 = tpu.vector_load %arg10[%get3A_281, %get3A_282] {strides = array<i32>} : memref<512x32xf32, #tpu.memory_space<vmem>>, vector<16xf32>,
      %mul3A_284 = arith.mulf %get3A_280, %get3A_283 : vector<16xf32>
      %add3A_285 = arith.addf %mul3A_277, %mul3A_284 : vector<16xf32>
      %eq3A_286 = arith.constant 4 : i32
      %eq3A_287 = vector.broadcast %eq3A_286 : i32 to vector<16xi32>
      %eq3A_288 = arith.cmpi eq, %iota3A, %eq3A_287 : vector<16xi32>
      %reduce_sum3A_289 = arith.constant true
      %reduce_sum3A_290 = vector.broadcast %reduce_sum3A_289 : i1 to vector<16xi1>
      %reduce_sum3A_291 = tpu.scan <sum>, %add3A_285 masked %reduce_sum3A_290 : vector<16xf32>, vector<16xi1> -> vector<16xf32>
      %reduce_sum3A_292 = vector.extract %reduce_sum3A_291[15] : f32 from vector<16xf32>
      %broadcast_in_dim3A_293 = vector.broadcast %reduce_sum3A_292 : f32 to vector<16xf32>
      %select_n3A_294 = arith.select %eq3A_288, %broadcast_in_dim3A_293, %select_n3A_268 : vector<16xi1>, vector<16xf32>
      %add3A_295 = arith.constant 5 : i32
      %add3A_296 = arith.addi %mul3A_167, %add3A_295 : i32
      %get3A_297 = arith.index_cast %add3A_296 : i32 to index
      %get3A_298 = arith.constant 0 : index
      %get3A_299 = tpu.vector_load %arg9[%get3A_297, %get3A_298] {strides = array<i32>} : memref<512x32xf32, #tpu.memory_space<vmem>>, vector<16xf32>,
      %get3A_300 = arith.index_cast %add3A_296 : i32 to index
      %get3A_301 = arith.constant 0 : index
      %get3A_302 = tpu.vector_load %arg10[%get3A_300, %get3A_301] {strides = array<i32>} : memref<512x32xf32, #tpu.memory_space<vmem>>, vector<16xf32>,
      %mul3A_303 = arith.mulf %get3A_299, %get3A_302 : vector<16xf32>
      %get3A_304 = arith.index_cast %add3A_296 : i32 to index
      %get3A_305 = arith.constant 16 : index
      %get3A_306 = tpu.vector_load %arg9[%get3A_304, %get3A_305] {strides = array<i32>} : memref<512x32xf32, #tpu.memory_space<vmem>>, vector<16xf32>,
      %get3A_307 = arith.index_cast %add3A_296 : i32 to index
      %get3A_308 = arith.constant 16 : index
      %get3A_309 = tpu.vector_load %arg10[%get3A_307, %get3A_308] {strides = array<i32>} : memref<512x32xf32, #tpu.memory_space<vmem>>, vector<16xf32>,
      %mul3A_310 = arith.mulf %get3A_306, %get3A_309 : vector<16xf32>
      %add3A_311 = arith.addf %mul3A_303, %mul3A_310 : vector<16xf32>
      %eq3A_312 = arith.constant 5 : i32
      %eq3A_313 = vector.broadcast %eq3A_312 : i32 to vector<16xi32>
      %eq3A_314 = arith.cmpi eq, %iota3A, %eq3A_313 : vector<16xi32>
      %reduce_sum3A_315 = arith.constant true
      %reduce_sum3A_316 = vector.broadcast %reduce_sum3A_315 : i1 to vector<16xi1>
      %reduce_sum3A_317 = tpu.scan <sum>, %add3A_311 masked %reduce_sum3A_316 : vector<16xf32>, vector<16xi1> -> vector<16xf32>
      %reduce_sum3A_318 = vector.extract %reduce_sum3A_317[15] : f32 from vector<16xf32>
      %broadcast_in_dim3A_319 = vector.broadcast %reduce_sum3A_318 : f32 to vector<16xf32>
      %select_n3A_320 = arith.select %eq3A_314, %broadcast_in_dim3A_319, %select_n3A_294 : vector<16xi1>, vector<16xf32>
      %add3A_321 = arith.constant 6 : i32
      %add3A_322 = arith.addi %mul3A_167, %add3A_321 : i32
      %get3A_323 = arith.index_cast %add3A_322 : i32 to index
      %get3A_324 = arith.constant 0 : index
      %get3A_325 = tpu.vector_load %arg9[%get3A_323, %get3A_324] {strides = array<i32>} : memref<512x32xf32, #tpu.memory_space<vmem>>, vector<16xf32>,
      %get3A_326 = arith.index_cast %add3A_322 : i32 to index
      %get3A_327 = arith.constant 0 : index
      %get3A_328 = tpu.vector_load %arg10[%get3A_326, %get3A_327] {strides = array<i32>} : memref<512x32xf32, #tpu.memory_space<vmem>>, vector<16xf32>,
      %mul3A_329 = arith.mulf %get3A_325, %get3A_328 : vector<16xf32>
      %get3A_330 = arith.index_cast %add3A_322 : i32 to index
      %get3A_331 = arith.constant 16 : index
      %get3A_332 = tpu.vector_load %arg9[%get3A_330, %get3A_331] {strides = array<i32>} : memref<512x32xf32, #tpu.memory_space<vmem>>, vector<16xf32>,
      %get3A_333 = arith.index_cast %add3A_322 : i32 to index
      %get3A_334 = arith.constant 16 : index
      %get3A_335 = tpu.vector_load %arg10[%get3A_333, %get3A_334] {strides = array<i32>} : memref<512x32xf32, #tpu.memory_space<vmem>>, vector<16xf32>,
      %mul3A_336 = arith.mulf %get3A_332, %get3A_335 : vector<16xf32>
      %add3A_337 = arith.addf %mul3A_329, %mul3A_336 : vector<16xf32>
      %eq3A_338 = arith.constant 6 : i32
      %eq3A_339 = vector.broadcast %eq3A_338 : i32 to vector<16xi32>
      %eq3A_340 = arith.cmpi eq, %iota3A, %eq3A_339 : vector<16xi32>
      %reduce_sum3A_341 = arith.constant true
      %reduce_sum3A_342 = vector.broadcast %reduce_sum3A_341 : i1 to vector<16xi1>
      %reduce_sum3A_343 = tpu.scan <sum>, %add3A_337 masked %reduce_sum3A_342 : vector<16xf32>, vector<16xi1> -> vector<16xf32>
      %reduce_sum3A_344 = vector.extract %reduce_sum3A_343[15] : f32 from vector<16xf32>
      %broadcast_in_dim3A_345 = vector.broadcast %reduce_sum3A_344 : f32 to vector<16xf32>
      %select_n3A_346 = arith.select %eq3A_340, %broadcast_in_dim3A_345, %select_n3A_320 : vector<16xi1>, vector<16xf32>
      %add3A_347 = arith.constant 7 : i32
      %add3A_348 = arith.addi %mul3A_167, %add3A_347 : i32
      %get3A_349 = arith.index_cast %add3A_348 : i32 to index
      %get3A_350 = arith.constant 0 : index
      %get3A_351 = tpu.vector_load %arg9[%get3A_349, %get3A_350] {strides = array<i32>} : memref<512x32xf32, #tpu.memory_space<vmem>>, vector<16xf32>,
      %get3A_352 = arith.index_cast %add3A_348 : i32 to index
      %get3A_353 = arith.constant 0 : index
      %get3A_354 = tpu.vector_load %arg10[%get3A_352, %get3A_353] {strides = array<i32>} : memref<512x32xf32, #tpu.memory_space<vmem>>, vector<16xf32>,
      %mul3A_355 = arith.mulf %get3A_351, %get3A_354 : vector<16xf32>
      %get3A_356 = arith.index_cast %add3A_348 : i32 to index
      %get3A_357 = arith.constant 16 : index
      %get3A_358 = tpu.vector_load %arg9[%get3A_356, %get3A_357] {strides = array<i32>} : memref<512x32xf32, #tpu.memory_space<vmem>>, vector<16xf32>,
      %get3A_359 = arith.index_cast %add3A_348 : i32 to index
      %get3A_360 = arith.constant 16 : index
      %get3A_361 = tpu.vector_load %arg10[%get3A_359, %get3A_360] {strides = array<i32>} : memref<512x32xf32, #tpu.memory_space<vmem>>, vector<16xf32>,
      %mul3A_362 = arith.mulf %get3A_358, %get3A_361 : vector<16xf32>
      %add3A_363 = arith.addf %mul3A_355, %mul3A_362 : vector<16xf32>
      %eq3A_364 = arith.constant 7 : i32
      %eq3A_365 = vector.broadcast %eq3A_364 : i32 to vector<16xi32>
      %eq3A_366 = arith.cmpi eq, %iota3A, %eq3A_365 : vector<16xi32>
      %reduce_sum3A_367 = arith.constant true
      %reduce_sum3A_368 = vector.broadcast %reduce_sum3A_367 : i1 to vector<16xi1>
      %reduce_sum3A_369 = tpu.scan <sum>, %add3A_363 masked %reduce_sum3A_368 : vector<16xf32>, vector<16xi1> -> vector<16xf32>
      %reduce_sum3A_370 = vector.extract %reduce_sum3A_369[15] : f32 from vector<16xf32>
      %broadcast_in_dim3A_371 = vector.broadcast %reduce_sum3A_370 : f32 to vector<16xf32>
      %select_n3A_372 = arith.select %eq3A_366, %broadcast_in_dim3A_371, %select_n3A_346 : vector<16xi1>, vector<16xf32>
      %add3A_373 = arith.constant 8 : i32
      %add3A_374 = arith.addi %mul3A_167, %add3A_373 : i32
      %get3A_375 = arith.index_cast %add3A_374 : i32 to index
      %get3A_376 = arith.constant 0 : index
      %get3A_377 = tpu.vector_load %arg9[%get3A_375, %get3A_376] {strides = array<i32>} : memref<512x32xf32, #tpu.memory_space<vmem>>, vector<16xf32>,
      %get3A_378 = arith.index_cast %add3A_374 : i32 to index
      %get3A_379 = arith.constant 0 : index
      %get3A_380 = tpu.vector_load %arg10[%get3A_378, %get3A_379] {strides = array<i32>} : memref<512x32xf32, #tpu.memory_space<vmem>>, vector<16xf32>,
      %mul3A_381 = arith.mulf %get3A_377, %get3A_380 : vector<16xf32>
      %get3A_382 = arith.index_cast %add3A_374 : i32 to index
      %get3A_383 = arith.constant 16 : index
      %get3A_384 = tpu.vector_load %arg9[%get3A_382, %get3A_383] {strides = array<i32>} : memref<512x32xf32, #tpu.memory_space<vmem>>, vector<16xf32>,
      %get3A_385 = arith.index_cast %add3A_374 : i32 to index
      %get3A_386 = arith.constant 16 : index
      %get3A_387 = tpu.vector_load %arg10[%get3A_385, %get3A_386] {strides = array<i32>} : memref<512x32xf32, #tpu.memory_space<vmem>>, vector<16xf32>,
      %mul3A_388 = arith.mulf %get3A_384, %get3A_387 : vector<16xf32>
      %add3A_389 = arith.addf %mul3A_381, %mul3A_388 : vector<16xf32>
      %eq3A_390 = arith.constant 8 : i32
      %eq3A_391 = vector.broadcast %eq3A_390 : i32 to vector<16xi32>
      %eq3A_392 = arith.cmpi eq, %iota3A, %eq3A_391 : vector<16xi32>
      %reduce_sum3A_393 = arith.constant true
      %reduce_sum3A_394 = vector.broadcast %reduce_sum3A_393 : i1 to vector<16xi1>
      %reduce_sum3A_395 = tpu.scan <sum>, %add3A_389 masked %reduce_sum3A_394 : vector<16xf32>, vector<16xi1> -> vector<16xf32>
      %reduce_sum3A_396 = vector.extract %reduce_sum3A_395[15] : f32 from vector<16xf32>
      %broadcast_in_dim3A_397 = vector.broadcast %reduce_sum3A_396 : f32 to vector<16xf32>
      %select_n3A_398 = arith.select %eq3A_392, %broadcast_in_dim3A_397, %select_n3A_372 : vector<16xi1>, vector<16xf32>
      %add3A_399 = arith.constant 9 : i32
      %add3A_400 = arith.addi %mul3A_167, %add3A_399 : i32
      %get3A_401 = arith.index_cast %add3A_400 : i32 to index
      %get3A_402 = arith.constant 0 : index
      %get3A_403 = tpu.vector_load %arg9[%get3A_401, %get3A_402] {strides = array<i32>} : memref<512x32xf32, #tpu.memory_space<vmem>>, vector<16xf32>,
      %get3A_404 = arith.index_cast %add3A_400 : i32 to index
      %get3A_405 = arith.constant 0 : index
      %get3A_406 = tpu.vector_load %arg10[%get3A_404, %get3A_405] {strides = array<i32>} : memref<512x32xf32, #tpu.memory_space<vmem>>, vector<16xf32>,
      %mul3A_407 = arith.mulf %get3A_403, %get3A_406 : vector<16xf32>
      %get3A_408 = arith.index_cast %add3A_400 : i32 to index
      %get3A_409 = arith.constant 16 : index
      %get3A_410 = tpu.vector_load %arg9[%get3A_408, %get3A_409] {strides = array<i32>} : memref<512x32xf32, #tpu.memory_space<vmem>>, vector<16xf32>,
      %get3A_411 = arith.index_cast %add3A_400 : i32 to index
      %get3A_412 = arith.constant 16 : index
      %get3A_413 = tpu.vector_load %arg10[%get3A_411, %get3A_412] {strides = array<i32>} : memref<512x32xf32, #tpu.memory_space<vmem>>, vector<16xf32>,
      %mul3A_414 = arith.mulf %get3A_410, %get3A_413 : vector<16xf32>
      %add3A_415 = arith.addf %mul3A_407, %mul3A_414 : vector<16xf32>
      %eq3A_416 = arith.constant 9 : i32
      %eq3A_417 = vector.broadcast %eq3A_416 : i32 to vector<16xi32>
      %eq3A_418 = arith.cmpi eq, %iota3A, %eq3A_417 : vector<16xi32>
      %reduce_sum3A_419 = arith.constant true
      %reduce_sum3A_420 = vector.broadcast %reduce_sum3A_419 : i1 to vector<16xi1>
      %reduce_sum3A_421 = tpu.scan <sum>, %add3A_415 masked %reduce_sum3A_420 : vector<16xf32>, vector<16xi1> -> vector<16xf32>
      %reduce_sum3A_422 = vector.extract %reduce_sum3A_421[15] : f32 from vector<16xf32>
      %broadcast_in_dim3A_423 = vector.broadcast %reduce_sum3A_422 : f32 to vector<16xf32>
      %select_n3A_424 = arith.select %eq3A_418, %broadcast_in_dim3A_423, %select_n3A_398 : vector<16xi1>, vector<16xf32>
      %add3A_425 = arith.constant 10 : i32
      %add3A_426 = arith.addi %mul3A_167, %add3A_425 : i32
      %get3A_427 = arith.index_cast %add3A_426 : i32 to index
      %get3A_428 = arith.constant 0 : index
      %get3A_429 = tpu.vector_load %arg9[%get3A_427, %get3A_428] {strides = array<i32>} : memref<512x32xf32, #tpu.memory_space<vmem>>, vector<16xf32>,
      %get3A_430 = arith.index_cast %add3A_426 : i32 to index
      %get3A_431 = arith.constant 0 : index
      %get3A_432 = tpu.vector_load %arg10[%get3A_430, %get3A_431] {strides = array<i32>} : memref<512x32xf32, #tpu.memory_space<vmem>>, vector<16xf32>,
      %mul3A_433 = arith.mulf %get3A_429, %get3A_432 : vector<16xf32>
      %get3A_434 = arith.index_cast %add3A_426 : i32 to index
      %get3A_435 = arith.constant 16 : index
      %get3A_436 = tpu.vector_load %arg9[%get3A_434, %get3A_435] {strides = array<i32>} : memref<512x32xf32, #tpu.memory_space<vmem>>, vector<16xf32>,
      %get3A_437 = arith.index_cast %add3A_426 : i32 to index
      %get3A_438 = arith.constant 16 : index
      %get3A_439 = tpu.vector_load %arg10[%get3A_437, %get3A_438] {strides = array<i32>} : memref<512x32xf32, #tpu.memory_space<vmem>>, vector<16xf32>,
      %mul3A_440 = arith.mulf %get3A_436, %get3A_439 : vector<16xf32>
      %add3A_441 = arith.addf %mul3A_433, %mul3A_440 : vector<16xf32>
      %eq3A_442 = arith.constant 10 : i32
      %eq3A_443 = vector.broadcast %eq3A_442 : i32 to vector<16xi32>
      %eq3A_444 = arith.cmpi eq, %iota3A, %eq3A_443 : vector<16xi32>
      %reduce_sum3A_445 = arith.constant true
      %reduce_sum3A_446 = vector.broadcast %reduce_sum3A_445 : i1 to vector<16xi1>
      %reduce_sum3A_447 = tpu.scan <sum>, %add3A_441 masked %reduce_sum3A_446 : vector<16xf32>, vector<16xi1> -> vector<16xf32>
      %reduce_sum3A_448 = vector.extract %reduce_sum3A_447[15] : f32 from vector<16xf32>
      %broadcast_in_dim3A_449 = vector.broadcast %reduce_sum3A_448 : f32 to vector<16xf32>
      %select_n3A_450 = arith.select %eq3A_444, %broadcast_in_dim3A_449, %select_n3A_424 : vector<16xi1>, vector<16xf32>
      %add3A_451 = arith.constant 11 : i32
      %add3A_452 = arith.addi %mul3A_167, %add3A_451 : i32
      %get3A_453 = arith.index_cast %add3A_452 : i32 to index
      %get3A_454 = arith.constant 0 : index
      %get3A_455 = tpu.vector_load %arg9[%get3A_453, %get3A_454] {strides = array<i32>} : memref<512x32xf32, #tpu.memory_space<vmem>>, vector<16xf32>,
      %get3A_456 = arith.index_cast %add3A_452 : i32 to index
      %get3A_457 = arith.constant 0 : index
      %get3A_458 = tpu.vector_load %arg10[%get3A_456, %get3A_457] {strides = array<i32>} : memref<512x32xf32, #tpu.memory_space<vmem>>, vector<16xf32>,
      %mul3A_459 = arith.mulf %get3A_455, %get3A_458 : vector<16xf32>
      %get3A_460 = arith.index_cast %add3A_452 : i32 to index
      %get3A_461 = arith.constant 16 : index
      %get3A_462 = tpu.vector_load %arg9[%get3A_460, %get3A_461] {strides = array<i32>} : memref<512x32xf32, #tpu.memory_space<vmem>>, vector<16xf32>,
      %get3A_463 = arith.index_cast %add3A_452 : i32 to index
      %get3A_464 = arith.constant 16 : index
      %get3A_465 = tpu.vector_load %arg10[%get3A_463, %get3A_464] {strides = array<i32>} : memref<512x32xf32, #tpu.memory_space<vmem>>, vector<16xf32>,
      %mul3A_466 = arith.mulf %get3A_462, %get3A_465 : vector<16xf32>
      %add3A_467 = arith.addf %mul3A_459, %mul3A_466 : vector<16xf32>
      %eq3A_468 = arith.constant 11 : i32
      %eq3A_469 = vector.broadcast %eq3A_468 : i32 to vector<16xi32>
      %eq3A_470 = arith.cmpi eq, %iota3A, %eq3A_469 : vector<16xi32>
      %reduce_sum3A_471 = arith.constant true
      %reduce_sum3A_472 = vector.broadcast %reduce_sum3A_471 : i1 to vector<16xi1>
      %reduce_sum3A_473 = tpu.scan <sum>, %add3A_467 masked %reduce_sum3A_472 : vector<16xf32>, vector<16xi1> -> vector<16xf32>
      %reduce_sum3A_474 = vector.extract %reduce_sum3A_473[15] : f32 from vector<16xf32>
      %broadcast_in_dim3A_475 = vector.broadcast %reduce_sum3A_474 : f32 to vector<16xf32>
      %select_n3A_476 = arith.select %eq3A_470, %broadcast_in_dim3A_475, %select_n3A_450 : vector<16xi1>, vector<16xf32>
      %add3A_477 = arith.constant 12 : i32
      %add3A_478 = arith.addi %mul3A_167, %add3A_477 : i32
      %get3A_479 = arith.index_cast %add3A_478 : i32 to index
      %get3A_480 = arith.constant 0 : index
      %get3A_481 = tpu.vector_load %arg9[%get3A_479, %get3A_480] {strides = array<i32>} : memref<512x32xf32, #tpu.memory_space<vmem>>, vector<16xf32>,
      %get3A_482 = arith.index_cast %add3A_478 : i32 to index
      %get3A_483 = arith.constant 0 : index
      %get3A_484 = tpu.vector_load %arg10[%get3A_482, %get3A_483] {strides = array<i32>} : memref<512x32xf32, #tpu.memory_space<vmem>>, vector<16xf32>,
      %mul3A_485 = arith.mulf %get3A_481, %get3A_484 : vector<16xf32>
      %get3A_486 = arith.index_cast %add3A_478 : i32 to index
      %get3A_487 = arith.constant 16 : index
      %get3A_488 = tpu.vector_load %arg9[%get3A_486, %get3A_487] {strides = array<i32>} : memref<512x32xf32, #tpu.memory_space<vmem>>, vector<16xf32>,
      %get3A_489 = arith.index_cast %add3A_478 : i32 to index
      %get3A_490 = arith.constant 16 : index
      %get3A_491 = tpu.vector_load %arg10[%get3A_489, %get3A_490] {strides = array<i32>} : memref<512x32xf32, #tpu.memory_space<vmem>>, vector<16xf32>,
      %mul3A_492 = arith.mulf %get3A_488, %get3A_491 : vector<16xf32>
      %add3A_493 = arith.addf %mul3A_485, %mul3A_492 : vector<16xf32>
      %eq3A_494 = arith.constant 12 : i32
      %eq3A_495 = vector.broadcast %eq3A_494 : i32 to vector<16xi32>
      %eq3A_496 = arith.cmpi eq, %iota3A, %eq3A_495 : vector<16xi32>
      %reduce_sum3A_497 = arith.constant true
      %reduce_sum3A_498 = vector.broadcast %reduce_sum3A_497 : i1 to vector<16xi1>
      %reduce_sum3A_499 = tpu.scan <sum>, %add3A_493 masked %reduce_sum3A_498 : vector<16xf32>, vector<16xi1> -> vector<16xf32>
      %reduce_sum3A_500 = vector.extract %reduce_sum3A_499[15] : f32 from vector<16xf32>
      %broadcast_in_dim3A_501 = vector.broadcast %reduce_sum3A_500 : f32 to vector<16xf32>
      %select_n3A_502 = arith.select %eq3A_496, %broadcast_in_dim3A_501, %select_n3A_476 : vector<16xi1>, vector<16xf32>
      %add3A_503 = arith.constant 13 : i32
      %add3A_504 = arith.addi %mul3A_167, %add3A_503 : i32
      %get3A_505 = arith.index_cast %add3A_504 : i32 to index
      %get3A_506 = arith.constant 0 : index
      %get3A_507 = tpu.vector_load %arg9[%get3A_505, %get3A_506] {strides = array<i32>} : memref<512x32xf32, #tpu.memory_space<vmem>>, vector<16xf32>,
      %get3A_508 = arith.index_cast %add3A_504 : i32 to index
      %get3A_509 = arith.constant 0 : index
      %get3A_510 = tpu.vector_load %arg10[%get3A_508, %get3A_509] {strides = array<i32>} : memref<512x32xf32, #tpu.memory_space<vmem>>, vector<16xf32>,
      %mul3A_511 = arith.mulf %get3A_507, %get3A_510 : vector<16xf32>
      %get3A_512 = arith.index_cast %add3A_504 : i32 to index
      %get3A_513 = arith.constant 16 : index
      %get3A_514 = tpu.vector_load %arg9[%get3A_512, %get3A_513] {strides = array<i32>} : memref<512x32xf32, #tpu.memory_space<vmem>>, vector<16xf32>,
      %get3A_515 = arith.index_cast %add3A_504 : i32 to index
      %get3A_516 = arith.constant 16 : index
      %get3A_517 = tpu.vector_load %arg10[%get3A_515, %get3A_516] {strides = array<i32>} : memref<512x32xf32, #tpu.memory_space<vmem>>, vector<16xf32>,
      %mul3A_518 = arith.mulf %get3A_514, %get3A_517 : vector<16xf32>
      %add3A_519 = arith.addf %mul3A_511, %mul3A_518 : vector<16xf32>
      %eq3A_520 = arith.constant 13 : i32
      %eq3A_521 = vector.broadcast %eq3A_520 : i32 to vector<16xi32>
      %eq3A_522 = arith.cmpi eq, %iota3A, %eq3A_521 : vector<16xi32>
      %reduce_sum3A_523 = arith.constant true
      %reduce_sum3A_524 = vector.broadcast %reduce_sum3A_523 : i1 to vector<16xi1>
      %reduce_sum3A_525 = tpu.scan <sum>, %add3A_519 masked %reduce_sum3A_524 : vector<16xf32>, vector<16xi1> -> vector<16xf32>
      %reduce_sum3A_526 = vector.extract %reduce_sum3A_525[15] : f32 from vector<16xf32>
      %broadcast_in_dim3A_527 = vector.broadcast %reduce_sum3A_526 : f32 to vector<16xf32>
      %select_n3A_528 = arith.select %eq3A_522, %broadcast_in_dim3A_527, %select_n3A_502 : vector<16xi1>, vector<16xf32>
      %add3A_529 = arith.constant 14 : i32
      %add3A_530 = arith.addi %mul3A_167, %add3A_529 : i32
      %get3A_531 = arith.index_cast %add3A_530 : i32 to index
      %get3A_532 = arith.constant 0 : index
      %get3A_533 = tpu.vector_load %arg9[%get3A_531, %get3A_532] {strides = array<i32>} : memref<512x32xf32, #tpu.memory_space<vmem>>, vector<16xf32>,
      %get3A_534 = arith.index_cast %add3A_530 : i32 to index
      %get3A_535 = arith.constant 0 : index
      %get3A_536 = tpu.vector_load %arg10[%get3A_534, %get3A_535] {strides = array<i32>} : memref<512x32xf32, #tpu.memory_space<vmem>>, vector<16xf32>,
      %mul3A_537 = arith.mulf %get3A_533, %get3A_536 : vector<16xf32>
      %get3A_538 = arith.index_cast %add3A_530 : i32 to index
      %get3A_539 = arith.constant 16 : index
      %get3A_540 = tpu.vector_load %arg9[%get3A_538, %get3A_539] {strides = array<i32>} : memref<512x32xf32, #tpu.memory_space<vmem>>, vector<16xf32>,
      %get3A_541 = arith.index_cast %add3A_530 : i32 to index
      %get3A_542 = arith.constant 16 : index
      %get3A_543 = tpu.vector_load %arg10[%get3A_541, %get3A_542] {strides = array<i32>} : memref<512x32xf32, #tpu.memory_space<vmem>>, vector<16xf32>,
      %mul3A_544 = arith.mulf %get3A_540, %get3A_543 : vector<16xf32>
      %add3A_545 = arith.addf %mul3A_537, %mul3A_544 : vector<16xf32>
      %eq3A_546 = arith.constant 14 : i32
      %eq3A_547 = vector.broadcast %eq3A_546 : i32 to vector<16xi32>
      %eq3A_548 = arith.cmpi eq, %iota3A, %eq3A_547 : vector<16xi32>
      %reduce_sum3A_549 = arith.constant true
      %reduce_sum3A_550 = vector.broadcast %reduce_sum3A_549 : i1 to vector<16xi1>
      %reduce_sum3A_551 = tpu.scan <sum>, %add3A_545 masked %reduce_sum3A_550 : vector<16xf32>, vector<16xi1> -> vector<16xf32>
      %reduce_sum3A_552 = vector.extract %reduce_sum3A_551[15] : f32 from vector<16xf32>
      %broadcast_in_dim3A_553 = vector.broadcast %reduce_sum3A_552 : f32 to vector<16xf32>
      %select_n3A_554 = arith.select %eq3A_548, %broadcast_in_dim3A_553, %select_n3A_528 : vector<16xi1>, vector<16xf32>
      %add3A_555 = arith.constant 15 : i32
      %add3A_556 = arith.addi %mul3A_167, %add3A_555 : i32
      %get3A_557 = arith.index_cast %add3A_556 : i32 to index
      %get3A_558 = arith.constant 0 : index
      %get3A_559 = tpu.vector_load %arg9[%get3A_557, %get3A_558] {strides = array<i32>} : memref<512x32xf32, #tpu.memory_space<vmem>>, vector<16xf32>,
      %get3A_560 = arith.index_cast %add3A_556 : i32 to index
      %get3A_561 = arith.constant 0 : index
      %get3A_562 = tpu.vector_load %arg10[%get3A_560, %get3A_561] {strides = array<i32>} : memref<512x32xf32, #tpu.memory_space<vmem>>, vector<16xf32>,
      %mul3A_563 = arith.mulf %get3A_559, %get3A_562 : vector<16xf32>
      %get3A_564 = arith.index_cast %add3A_556 : i32 to index
      %get3A_565 = arith.constant 16 : index
      %get3A_566 = tpu.vector_load %arg9[%get3A_564, %get3A_565] {strides = array<i32>} : memref<512x32xf32, #tpu.memory_space<vmem>>, vector<16xf32>,
      %get3A_567 = arith.index_cast %add3A_556 : i32 to index
      %get3A_568 = arith.constant 16 : index
      %get3A_569 = tpu.vector_load %arg10[%get3A_567, %get3A_568] {strides = array<i32>} : memref<512x32xf32, #tpu.memory_space<vmem>>, vector<16xf32>,
      %mul3A_570 = arith.mulf %get3A_566, %get3A_569 : vector<16xf32>
      %add3A_571 = arith.addf %mul3A_563, %mul3A_570 : vector<16xf32>
      %eq3A_572 = arith.constant 15 : i32
      %eq3A_573 = vector.broadcast %eq3A_572 : i32 to vector<16xi32>
      %eq3A_574 = arith.cmpi eq, %iota3A, %eq3A_573 : vector<16xi32>
      %reduce_sum3A_575 = arith.constant true
      %reduce_sum3A_576 = vector.broadcast %reduce_sum3A_575 : i1 to vector<16xi1>
      %reduce_sum3A_577 = tpu.scan <sum>, %add3A_571 masked %reduce_sum3A_576 : vector<16xf32>, vector<16xi1> -> vector<16xf32>
      %reduce_sum3A_578 = vector.extract %reduce_sum3A_577[15] : f32 from vector<16xf32>
      %broadcast_in_dim3A_579 = vector.broadcast %reduce_sum3A_578 : f32 to vector<16xf32>
      %select_n3A_580 = arith.select %eq3A_574, %broadcast_in_dim3A_579, %select_n3A_554 : vector<16xi1>, vector<16xf32>
      %swap3A = arith.index_cast %mul3A_167 : i32 to index
      %swap3A_581 = tpu.vector_load %arg11[%swap3A] {strides = array<i32>} : memref<512xf32, #tpu.memory_space<vmem>>, vector<16xf32>,
      tpu.vector_store %arg11[%swap3A], %select_n3A_580 {strides = array<i32>} : memref<512xf32, #tpu.memory_space<vmem>>, vector<16xf32>,
    }
    %scan3A_164 = arith.constant 32 : i32
    "tpu.region"() ({
      %run_scoped3A = tpu.sem_alloc : memref<!tpu.dma_semaphore, #tpu.memory_space<semaphore_mem>>
      %dma_start3A_165 = tpu.memref_slice %arg6[%mul3A_2] : memref<16384xf32, #tpu.memory_space<hbm>> -> memref<512xf32, #tpu.memory_space<hbm>>
      %dma_start3A_166 = tpu.memref_slice %arg6[%mul3A_2] : memref<16384xf32, #tpu.memory_space<hbm>> -> memref<512xf32, #tpu.memory_space<hbm>>
      tpu.enqueue_dma source(%arg11 : memref<512xf32, #tpu.memory_space<vmem>>) target(%dma_start3A_166 : memref<512xf32, #tpu.memory_space<hbm>>) target_semaphore(%run_scoped3A : memref<!tpu.dma_semaphore, #tpu.memory_space<semaphore_mem>>)
      %dma_wait3A_167 = tpu.memref_slice %arg6[%mul3A_2] : memref<16384xf32, #tpu.memory_space<hbm>> -> memref<512xf32, #tpu.memory_space<hbm>>
      %dma_wait3A_168 = tpu.memref_slice %arg6[%mul3A_2] : memref<16384xf32, #tpu.memory_space<hbm>> -> memref<512xf32, #tpu.memory_space<hbm>>
      tpu.wait_dma2 semaphore(%run_scoped3A : memref<!tpu.dma_semaphore, #tpu.memory_space<semaphore_mem>>) src(%arg11 : memref<512xf32, #tpu.memory_space<vmem>>) dst(%dma_wait3A_168 : memref<512xf32, #tpu.memory_space<hbm>>)
      tpu.yield
    }) : () -> ()
    return
  }
}

</mosaic_0001>

<sc_bundles>
// kernel: kernel.3.cloned.1.call-start
scs
__scs_entry_jumppad:
0x0: {  	(pc) =	sbr.rel $0x88, $3  }
0x1: {  	(tag) =	ssettag $0x0;
	lr =	simm.s32 $0x1  }
0x2: {  	[smem:$0x3F9D] =	sst lr;
	_ =	strace $0xD0000000  }
0x3: {  	_ = 	snop  }
0x4: {  	_ = 	snop  }
0x5: {  	_ = 	snop  }
0x6: {  	_ = 	snop  }
0x7: {  	_ = 	snop  }
__scs_overlays_trampoline_lowered:
0x8: {  	[smem:$0x3FAC] =	sst s0  }
0x9: {  	[smem:$0x3FAD] =	sst s1  }
0xa: {  	[smem:$0x3FAE] =	sst s2  }
0xb: {  	[smem:$0x3FAF] =	sst s3  }
0xc: {  	[smem:$0x3FB0] =	sst s4  }
0xd: {  	[smem:$0x3FB1] =	sst s5  }
0xe: {  	[smem:$0x3FB2] =	sst s6  }
0xf: {  	[smem:$0x3FB3] =	sst s7  }
0x10: {  	[smem:$0x3FB4] =	sst s8  }
0x11: {  	[smem:$0x3FB5] =	sst s9;
	s0 =	simm.s32 @!p0 $0x0  }
0x12: {  	s1 =	sld [smem:$0x3F9B];
	s0 =	simm.s32 @p0 $0x1  }
0x13: {  	[smem:$0x3FB6] =	sst s0;
	s0 =	simm.s32 @!p1 $0x0  }
0x14: {  	s2 =	sld [smem:$0x3F9A];
	s0 =	simm.s32 @p1 $0x1  }
0x15: {  	[smem:$0x3FB7] =	sst s0;
	s0 =	simm.s32 @!p2 $0x0  }
0x16: {  	s3 =	sld [smem:$0x3FDB];
	s0 =	simm.s32 @p2 $0x1  }
0x17: {  	s4 =	simm.s32 $0x1BF5;
	[smem:$0x3FB9] =	sst s0  }
0x18: {  	s0 =	sld [smem:$0x3F9C];
	_ =	swait.ge [sflag:s4], $0x0  }
0x19: {  	s7 =	sld [smem:$0x3F9D]  }
0x1a: {  	s8 =	sadd.s32 $0xFFFFE003, lr  }
0x1b: {  	s9 =	sadd.s32 $0xFFFFFEF7, lr;
	s5 =	simm.s32 $0xFFFFFFFF;
	p2 =	slt.u32 s8, $0xFFFFF086  }
0x1c: {  	p1 =	slt.u32 s9, $0xF7A;
	s5 =	simm.s32 @!p2 $0x0  }
0x1d: {  	s5 =	simm.s32 @p1 $0x1;
	p0 =	seq.s32 s7, s2  }
0x1e: {  	s7 =	smul.u32 @!p0 $0xF7A, s2;
	p2 =	seq.s32 @!p0 s5, $0x0  }
0x1f: {  	s9 =	smul.u32 $0xF7A, s1;
	s8 =	simm.s32 @!p0 $0x1BF5;
	p2 =	por !p2, p0  }
0x20: {  	[sflag:s8] =	ssyncset.s32 @!p0 $0xFFFFF086;
	s6 =	sadd.s32 @!p0 s3, s7;
	s7 =	simm.s32 @!p0 $0x108  }
0x21: {  	s3 =	sadd.s32 s3, s9;
	s6 =	sadd.s32 @!p0 $0x88, s6;
	s7 =	simm.s32 @p2 $0x1082  }
0x22: {  	[simem:s7], [sflag:s8] =	dma.local @!p0 [hbm:s6], $0xF7A  }
0x23: {  	s9 =	sor.u32 $0xD0000000, s2;
	s6 =	simm.s32 $0x108;
	_ =	swait.ge @!p0 [sflag:s8], $0x0  }
0x24: {  	s3 =	sadd.s32 $0x88, s3;
	s6 =	simm.s32 @!p1 $0x1082;
	[sflag:s4] =	ssyncset.s32 $0xFFFFF086  }
0x25: {  	[simem:s6], [sflag:s4] =	dma.local [hbm:s3], $0xF7A  }
0x26: {  	[smem:$0x3F9D] =	sst s1;
	(tag) =	ssettag s2;
	_ =	strace s9  }
0x27: {  	s1 =	sld [smem:$0x3FAD]  }
0x28: {  	s2 =	sld [smem:$0x3FAE]  }
0x29: {  	s4 =	sld [smem:$0x3FB0]  }
0x2a: {  	p0 =	seq.s32 s5, $0x0;
	s5 =	sld [smem:$0x3FB1]  }
0x2b: {  	s6 =	sld [smem:$0x3FB2]  }
0x2c: {  	s7 =	sld [smem:$0x3FB3]  }
0x2d: {  	s3 =	simm.s32 $0x108;
	s8 =	sld [smem:$0x3FB4]  }
0x2e: {  	s3 =	simm.s32 @!p0 $0x1082;
	s9 =	sld [smem:$0x3FB5]  }
0x2f: {  	lr =	sadd.s32 s0, s3;
	s0 =	sld [smem:$0x3FAC]  }
0x30: {  	s3 =	sld [smem:$0x3FAF]  }
0x31: {  	[smem:$0x3FB8] =	sst s10  }
0x32: {  	s10 =	sld [smem:$0x3FB6];
	_ =	sdelay $0x3  }
0x33: {  	p0 =	seq.s32 s10, $0x1;
	s10 =	sld [smem:$0x3FB8];
	_ =	sdelay $0x3  }
0x34: {  	[smem:$0x3FB8] =	sst s10  }
0x35: {  	s10 =	sld [smem:$0x3FB7];
	_ =	sdelay $0x3  }
0x36: {  	p1 =	seq.s32 s10, $0x1;
	s10 =	sld [smem:$0x3FB8];
	_ =	sdelay $0x3  }
0x37: {  	[smem:$0x3FB8] =	sst s10  }
0x38: {  	s10 =	sld [smem:$0x3FB9]  }
0x39: {  	_ = 	snop;
	(pc) =	sbr.ind lr, $3  }
0x3a: {  	_ = 	snop  }
0x3b: {  	_ = 	snop  }
0x3c: {  	p2 =	seq.s32 s10, $0x1;
	s10 =	sld [smem:$0x3FB8]  }
0x3d: {  	_ =	shalt  }
0x3e: {  	_ =	shalt  }
0x3f: {  	_ =	shalt  }
0x40: {  	_ =	shalt  }
0x41: {  	_ =	shalt  }
0x42: {  	_ =	shalt  }
0x43: {  	_ =	shalt  }
0x44: {  	_ =	shalt  }
0x45: {  	_ =	shalt  }
0x46: {  	_ =	shalt  }
0x47: {  	_ =	shalt  }
0x48: {  	_ =	shalt  }
0x49: {  	_ =	shalt  }
0x4a: {  	_ =	shalt  }
0x4b: {  	_ =	shalt  }
0x4c: {  	_ =	shalt  }
0x4d: {  	_ =	shalt  }
0x4e: {  	_ =	shalt  }
0x4f: {  	_ =	shalt  }
0x50: {  	_ =	shalt  }
0x51: {  	_ =	shalt  }
0x52: {  	_ =	shalt  }
0x53: {  	_ =	shalt  }
0x54: {  	_ =	shalt  }
0x55: {  	_ =	shalt  }
0x56: {  	_ =	shalt  }
0x57: {  	_ =	shalt  }
0x58: {  	_ =	shalt  }
0x59: {  	_ =	shalt  }
0x5a: {  	_ =	shalt  }
0x5b: {  	_ =	shalt  }
0x5c: {  	_ =	shalt  }
0x5d: {  	_ =	shalt  }
0x5e: {  	_ =	shalt  }
0x5f: {  	_ =	shalt  }
0x60: {  	_ =	shalt  }
0x61: {  	_ =	shalt  }
0x62: {  	_ =	shalt  }
0x63: {  	_ =	shalt  }
0x64: {  	_ =	shalt  }
0x65: {  	_ =	shalt  }
0x66: {  	_ =	shalt  }
0x67: {  	_ =	shalt  }
0x68: {  	_ =	shalt  }
0x69: {  	_ =	shalt  }
0x6a: {  	_ =	shalt  }
0x6b: {  	_ =	shalt  }
0x6c: {  	_ =	shalt  }
0x6d: {  	_ =	shalt  }
0x6e: {  	_ =	shalt  }
0x6f: {  	_ =	shalt  }
0x70: {  	_ =	shalt  }
0x71: {  	_ =	shalt  }
0x72: {  	_ =	shalt  }
0x73: {  	_ =	shalt  }
0x74: {  	_ =	shalt  }
0x75: {  	_ =	shalt  }
0x76: {  	_ =	shalt  }
0x77: {  	_ =	shalt  }
0x78: {  	_ =	shalt  }
0x79: {  	_ =	shalt  }
0x7a: {  	_ =	shalt  }
0x7b: {  	_ =	shalt  }
0x7c: {  	_ =	shalt  }
0x7d: {  	_ =	shalt  }
0x7e: {  	_ =	shalt  }
0x7f: {  	_ =	shalt  }
0x80: {  	_ =	shalt  }
0x81: {  	_ =	shalt  }
0x82: {  	_ =	shalt  }
0x83: {  	_ =	shalt  }
0x84: {  	_ =	shalt  }
0x85: {  	_ =	shalt  }
0x86: {  	_ =	shalt  }
0x87: {  	_ =	shalt  }
.Lfunc_end0:
.L_simem_size_0:
called_computation_lowered:
.L_overlay_start_0:
0x88: {  	s2 =	sld [smem:$0x3FD9]  }
0x89: {  	s3 =	sld [smem:$0x3FFE];
	_ =	sdelay $0x1  }
0x8a: {  	s1 =	srdreg.scid  }
0x8b: {  	s0 =	sand.u32 $0x1, s1  }
0x8c: {  	s17 =	sshll.u32 s0, $0xA;
	s2 =	sadd.s32 s3, s2  }
0x8d: {  	s2 =	sadd.s32 s2, s17  }
0x8e: {  	[smem:$0x3FC4] =	sst s2  }
0x8f: {  	_ = 	snop  }
0x90: {  	s2 =	sld [smem:$0x3FC9]  }
0x91: {  	s18 =	sld [smem:$0x3FC8]  }
0x92: {  	s4 =	sld [smem:$0x3FD0];
	(tm) =	ssettm $0x1  }
0x93: {  	s5 =	sld [smem:$0x3FFB];
	_ =	sdelay $0x3  }
0x94: {  	_ =	strace s5  }
0x95: {  	s5 =	sld [smem:$0x3FFC];
	_ =	sdelay $0x3  }
0x96: {  	_ =	strace s5  }
0x97: {  	s5 =	sld [smem:$0x3FFD];
	_ =	sdelay $0x3  }
0x98: {  	_ =	strace s5  }
0x99: {  	_ =	strace $0x8FFFFFFF  }
0x9a: {  	s19 =	sld [smem:$0x3FDB];
	_ =	sdelay $0x1  }
0x9b: {  	s6 =	simm.s32 $_scs_section_size  }
0x9c: {  	s7 =	simm.s32 $_size__tile_overlayer_lowered;
	s8 =	simm.s32 $_tile_overlayer_lowered  }
0x9d: {  	s22 =	simm.s32 $0x1BFF;
	s21 =	sshll.u32 s8, $0x1;
	s5 =	sadd.s32 s6, s19  }
0x9e: {  	s9 =	simm.s32 $0x0;
	s20 =	sshll.u32 s7, $0x1;
	s7 =	sadd.s32 s21, s5  }
0x9f: {  	[timem:s9], [sflag:s22] =	dma.local [hbm:s7], s20  }
0xa0: {  	_ =	swait.ge [sflag:s22], s20  }
0xa1: {  	s6 =	ssub.s32 $0x0, s20;
	[sflag:s22] =	ssyncset.done $0x0  }
0xa2: {  	[sflag:s22] =	ssyncadd.s32 s6;
	_ =	sdelay $0x1  }
0xa3: {  	s23 =	simm.s32 $0x1B8B  }
0xa4: {  	_ =	swait.ge [sflag:s23], $0x1  }
0xa5: {  	[sflag:s23] =	ssyncset.done $0x0  }
0xa6: {  	s25 =	simm.s32 $0x1B8E;
	s24 =	sld [smem:$0x3FFE];
	[sflag:s23] =	ssyncadd.s32 $0xFFFFFFFF  }
0xa7: {  	s26 =	simm.s32 $execute0_lowered;
	[smem:$0x3FD2] =	sst s25  }
0xa8: {  	s7 =	sshll.u32 s26, $0x1;
	_ =	strace $0x80000046;
	[dreg:$0x1] =	wrdreg $0xFFFFFFFF  }
0xa9: {  	s28 =	simm.s32 $_size_execute0_lowered;
	s5 =	sadd.s32 s5, s7;
	[dreg:$0x0] =	wrdreg $0x0  }
0xaa: {  	s7 =	sshll.u32 s28, $0x1;
	[dreg:$0x2] =	wrdreg s5  }
0xab: {  	[dreg:$0x3] =	wrdreg s7  }
0xac: {  	[dreg:$0x4] =	wrdreg $0xC0  }
0xad: {  	_ =	task [dreg:s9], $0x5FFFF  }
0xae: {  	[dreg:$0x1] =	wrdreg $0xFFFFFFFF  }
0xaf: {  	[dreg:$0x0] =	wrdreg $0x60  }
0xb0: {  	[dreg:$0x2] =	wrdreg s2  }
0xb1: {  	[dreg:$0x3] =	wrdreg s18  }
0xb2: {  	[dreg:$0x4] =	wrdreg s24  }
0xb3: {  	[dreg:$0x5] =	wrdreg s4  }
0xb4: {  	[dreg:$0x6] =	wrdreg $0x9  }
0xb5: {  	_ =	task.clear_ibuf [dreg:s9], $0x7FFFF;
	_ =	strace $0x90000046  }
0xb6: {  	s29 =	simm.s32 $0x9;
	_ =	strace $0x80000048  }
0xb7: {  	_ =	swait.ge [sflag:s29], $0x1  }
0xb8: {  	[sflag:s29] =	ssyncadd.s32 $0xFFFFFFFF  }
0xb9: {  	_ =	strace $0x90000048  }
0xba: {  	_ =	sfence  }
0xbb: {  	s30 =	sld [smem:$0x0];
	_ =	sdelay $0x2  }
0xbc: {  	s31 =	sshll.u32 s1, $0xD;
	s1 =	sshrl.u32 s1, $0x2  }
0xbd: {  	s3 =	sand.u32 $0x4000, s31;
	s1 =	sadd.s32 s1, s30  }
0xbe: {  	s0 =	sor.u32 s3, s0;
	s1 =	sshll.u32 s1, $0x11  }
0xbf: {  	s0 =	sor.u32 s1, s0  }
0xc0: {  	s0 =	sadd.s32 $0x8F2B, s0  }
0xc1: {  	[sflag:s0] =	ssyncadd.remote.s32 $0x1  }
0xc2: {  	_ =	sfence.sel $0xFFFF  }
0xc3: {  	[dreg:$0x0] =	wrdreg $0xFFFFFFFF;
	(pc) =	sbr.abs _section_cstart, $3  }
0xc4: {  	[dreg:$0x1] =	wrdreg $0xFFFFFFFF  }
0xc5: {  	_ =	task.clear_ibuf [dreg:s9], $0x2FFFF;
	_ =	strace $0x9FFFFFFF  }
0xc6: {  	(tm) =	ssettm $0x7FFFFFFF  }
0xc7: {  	_ =	shalt  }
tec
execute0_lowered:
.L_overlay_start_1:
0x0: {  	(tag) =	ssettag $0x1  }
0x1: {  	s0 =	rddreg [dreg:$0x0]  }
0x2: {  	s6 =	rddreg [dreg:$0x1]  }
0x3: {  	s4 =	rddreg [dreg:$0x2]  }
0x4: {  	s7 =	rddreg [dreg:$0x3];
	s1 =	simm.s32 $0x0;
	s2 =	srdreg.scid  }
0x5: {  	s11 =	simm.s32 $0x80;
	s12 =	simm.s32 $0x400;
	s13 =	simm.s32 $0x4400  }
0x6: {  	s14 =	simm.s32 $0x1400;
	s15 =	simm.s32 $0x280;
	s16 =	simm.s32 $0x5400  }
0x7: {  	s17 =	simm.s32 $0x100;
	s18 =	simm.s32 $0x2400;
	s19 =	simm.s32 $0x300  }
0x8: {  	s20 =	simm.s32 $0x6400;
	s21 =	simm.s32 $0x180;
	s22 =	simm.s32 $0x3400  }
0x9: {  	s23 =	simm.s32 $0x380;
	s24 =	simm.s32 $0x7400;
	s25 =	simm.s32 $0x1  }
0xa: {  	s26 =	simm.s32 $0x2;
	s28 =	simm.s32 $0x8400;
	s29 =	simm.s32 $0x0  }
0xb: {  	[smem:$0x7FF] =	sst s1;
	s5 =	sand.u32 $0x1, s2;
	s3 =	sadd.s32 $0xF42800, s4  }
0xc: {  	vm0 =	vmmov $0x1;
	vm1 =	vmmov $0x3;
	vm2 =	vmmov $0x7;
	s2 =	stileid.u32;
	s4 =	sadd.s32 $0x1313200, s4;
	_ =	strace $0x80000047  }
0xd: {  	vm3 =	vmmov $0xf;
	vm4 =	vmmov $0x1f;
	vm5 =	vmmov $0x3f;
	s8 =	ssub.s32 $0x2, s5;
	s10 =	sshll.u32 s2, $0x7;
	s5 =	sshll.u32 s5, $0x6  }
0xe: {  	vm6 =	vmmov $0x7f;
	vm7 =	vmmov $0xff;
	vm8 =	vmmov $0x1ff;
	s9 =	sshrl.u32 s8, $0x1;
	s31 =	sor.u32 s5, s10;
	s10 =	simm.s32 $0x200  }
0xf: {  	vm9 =	vmmov $0x3ff;
	vm10 =	vmmov $0x7ff;
	vm11 =	vmmov $0xfff;
	s8 =	ssub.s32 s8, s9;
	s5 =	sadd.s32 s0, s31;
	s6 =	sadd.s32 s6, s31  }
0x10: {  	vm12 =	vmmov $0x1fff;
	vm13 =	vmmov $0x3fff;
	vm14 =	vmmov $0x7fff;
	s7 =	sadd.s32 s7, s31;
	s9 =	simm.s32 $0x3;
	s8 =	smax.u32 s8, $0x1  }
.LBB2_1:
0x11: {  	[tilespmem:s1], [sflag:$0x3] =	stream.linear.gather [hbm4b:s5+s1], $0x200, $0x38;
	[tilespmem:$0x8600] =	vst v63  }
0x12: {  	_ =	swait.ge [sflag:s9], $0x200  }
0x13: {  	[sflag:s9] =	ssyncset.done $0x0  }
0x14: {  	[sflag:s9] =	ssyncadd.s32 $0xFFFFFE00  }
0x15: {  	[tilespmem:s10], [sflag:$0x3] =	stream.linear.gather [hbm4b:s6+s1], $0x200, $0x38;
	[tilespmem:$0x8600] =	vst v63  }
0x16: {  	_ =	swait.ge [sflag:s9], $0x200  }
0x17: {  	[sflag:s9] =	ssyncset.done $0x0  }
0x18: {  	[sflag:s9] =	ssyncadd.s32 $0xFFFFFE00  }
0x19: {  	[tilespmem:s12], [sflag:$0x1] =	stream.indirect.gather [hbm4b:s3+s11], $0x20, s1, s11, $0xb8;
	[tilespmem:$0x8600] =	vst v63  }
0x1a: {  	_ = 	snop  }
0x1b: {  	[tilespmem:s13], [sflag:$0x2] =	stream.indirect.gather [hbm4b:s4+s11], $0x20, s10, s11, $0xb8;
	[tilespmem:$0x8600] =	vst v63  }
0x1c: {  	_ = 	snop  }
0x1d: {  	[tilespmem:s14], [sflag:$0x1] =	stream.indirect.gather [hbm4b:s3+s11], $0x20, s11, s11, $0xb8;
	[tilespmem:$0x8600] =	vst v63  }
0x1e: {  	_ = 	snop  }
0x1f: {  	[tilespmem:s16], [sflag:$0x2] =	stream.indirect.gather [hbm4b:s4+s11], $0x20, s15, s11, $0xb8;
	[tilespmem:$0x8600] =	vst v63  }
0x20: {  	_ = 	snop  }
0x21: {  	[tilespmem:s18], [sflag:$0x1] =	stream.indirect.gather [hbm4b:s3+s11], $0x20, s17, s11, $0xb8;
	[tilespmem:$0x8600] =	vst v63  }
0x22: {  	_ = 	snop  }
0x23: {  	[tilespmem:s20], [sflag:$0x2] =	stream.indirect.gather [hbm4b:s4+s11], $0x20, s19, s11, $0xb8;
	[tilespmem:$0x8600] =	vst v63  }
0x24: {  	_ = 	snop  }
0x25: {  	[tilespmem:s22], [sflag:$0x1] =	stream.indirect.gather [hbm4b:s3+s11], $0x20, s21, s11, $0xb8;
	[tilespmem:$0x8600] =	vst v63  }
0x26: {  	_ = 	snop  }
0x27: {  	[tilespmem:s24], [sflag:$0x2] =	stream.indirect.gather [hbm4b:s4+s11], $0x20, s23, s11, $0xb8;
	[tilespmem:$0x8600] =	vst v63  }
0x28: {  	_ =	swait.ge [sflag:s25], $0x1000  }
0x29: {  	[sflag:s25] =	ssyncset.done $0x0  }
0x2a: {  	[sflag:s25] =	ssyncadd.s32 $0xFFFFF000  }
0x2b: {  	_ =	swait.ge [sflag:s26], $0x1000  }
0x2c: {  	[sflag:s26] =	ssyncset.done $0x0  }
0x2d: {  	[sflag:s26] =	ssyncadd.s32 $0xFFFFF000  }
0x2e: {  	_ =	swait.ge [sflag:s25], $0x1000  }
0x2f: {  	[sflag:s25] =	ssyncset.done $0x0  }
0x30: {  	[sflag:s25] =	ssyncadd.s32 $0xFFFFF000  }
0x31: {  	_ =	swait.ge [sflag:s26], $0x1000  }
0x32: {  	[sflag:s26] =	ssyncset.done $0x0  }
0x33: {  	[sflag:s26] =	ssyncadd.s32 $0xFFFFF000  }
0x34: {  	_ =	swait.ge [sflag:s25], $0x1000  }
0x35: {  	[sflag:s25] =	ssyncset.done $0x0  }
0x36: {  	[sflag:s25] =	ssyncadd.s32 $0xFFFFF000  }
0x37: {  	_ =	swait.ge [sflag:s26], $0x1000  }
0x38: {  	[sflag:s26] =	ssyncset.done $0x0  }
0x39: {  	[sflag:s26] =	ssyncadd.s32 $0xFFFFF000  }
0x3a: {  	_ =	swait.ge [sflag:s25], $0x1000  }
0x3b: {  	[sflag:s25] =	ssyncset.done $0x0  }
0x3c: {  	[sflag:s25] =	ssyncadd.s32 $0xFFFFF000  }
0x3d: {  	_ =	swait.ge [sflag:s26], $0x1000  }
0x3e: {  	[sflag:s26] =	ssyncset.done $0x0  }
0x3f: {  	s0 =	simm.s32 $0x0;
	[sflag:s26] =	ssyncadd.s32 $0xFFFFF000  }
0x40: {  	v0 =	vld [tilespmem:s0+$0x5C0]  }
0x41: {  	v1 =	vld [tilespmem:s0+$0x45C0]  }
0x42: {  	v2 =	vld [tilespmem:s0+$0x5D0]  }
0x43: {  	v3 =	vld [tilespmem:s0+$0x45D0]  }
0x44: {  	v4 =	vld [tilespmem:s0+$0x5A0]  }
0x45: {  	v5 =	vld [tilespmem:s0+$0x580]  }
0x46: {  	v6 =	vld [tilespmem:s0+$0x4580]  }
0x47: {  	v7 =	vld [tilespmem:s0+$0x590]  }
0x48: {  	v8 =	vld [tilespmem:s0+$0x4590]  }
0x49: {  	v9 =	vld [tilespmem:s0+$0x560]  }
0x4a: {  	v10 =	vld [tilespmem:s0+$0x4560]  }
0x4b: {  	v11 =	vld [tilespmem:s0+$0x570]  }
0x4c: {  	v12 =	vld [tilespmem:s0+$0x4570]  }
0x4d: {  	v13 =	vld [tilespmem:s0+$0x540]  }
0x4e: {  	v14 =	vld [tilespmem:s0+$0x520]  }
0x4f: {  	v15 =	vld [tilespmem:s0+$0x4520]  }
0x50: {  	v16 =	vld [tilespmem:s0+$0x530]  }
0x51: {  	v17 =	vld [tilespmem:s0+$0x4530]  }
0x52: {  	v18 =	vld [tilespmem:s0+$0x500]  }
0x53: {  	v19 =	vld [tilespmem:s0+$0x4500]  }
0x54: {  	v20 =	vld [tilespmem:s0+$0x510]  }
0x55: {  	v21 =	vld [tilespmem:s0+$0x4510]  }
0x56: {  	v22 =	vld [tilespmem:s0+$0x4E0]  }
0x57: {  	v23 =	vld [tilespmem:s0+$0x4C0]  }
0x58: {  	v24 =	vld [tilespmem:s0+$0x44C0]  }
0x59: {  	v25 =	vld [tilespmem:s0+$0x4D0]  }
0x5a: {  	v26 =	vld [tilespmem:s0+$0x44D0]  }
0x5b: {  	v27 =	vld [tilespmem:s0+$0x4A0]  }
0x5c: {  	v28 =	vld [tilespmem:s0+$0x44A0]  }
0x5d: {  	v29 =	vld [tilespmem:s0+$0x4B0]  }
0x5e: {  	v30 =	vld [tilespmem:s0+$0x44B0]  }
0x5f: {  	v31 =	vld [tilespmem:s0+$0x480]  }
0x60: {  	v32 =	vld [tilespmem:s0+$0x460]  }
0x61: {  	v33 =	vld [tilespmem:s0+$0x4460]  }
0x62: {  	v34 =	vld [tilespmem:s0+$0x470]  }
0x63: {  	v35 =	vld [tilespmem:s0+$0x4470]  }
0x64: {  	v36 =	vld [tilespmem:s0+$0x440]  }
0x65: {  	v37 =	vld [tilespmem:s0+$0x4440]  }
0x66: {  	v38 =	vld [tilespmem:s0+$0x450]  }
0x67: {  	v39 =	vld [tilespmem:s0+$0x4450]  }
0x68: {  	v40 =	vld [tilespmem:s0+$0x4400]  }
0x69: {  	v41 =	vld [tilespmem:s0+$0x400]  }
0x6a: {  	v0 =	vmul.f32 v1, v0;
	v1 =	vmul.f32 v3, v2;
	v2 =	vld [tilespmem:s0+$0x410]  }
0x6b: {  	v3 =	vmul.f32 v6, v5;
	v5 =	vmul.f32 v8, v7;
	v6 =	vld [tilespmem:s0+$0x4410]  }
0x6c: {  	v7 =	vmul.f32 v12, v11;
	v8 =	vld [tilespmem:s0+$0x420];
	v0 =	vadd.f32 v1, v0;
	v1 =	vmul.f32 v10, v9  }
0x6d: {  	v11 =	vld [tilespmem:s0+$0x430];
	v3 =	vadd.f32 v5, v3;
	v5 =	vmul.f32 v15, v14;
	v9 =	vmul.f32 v17, v16  }
0x6e: {  	v12 =	vld [tilespmem:s0+$0x4430];
	(xrf2) =	vadd.scan.msk.f32 $0xffff, v0;
	v0 =	vadd.f32 v7, v1;
	v1 =	vmul.f32 v19, v18;
	v7 =	vmul.f32 v21, v20  }
0x6f: {  	v10 =	vld [tilespmem:s0+$0x4420];
	(xrf2) =	vadd.scan.msk.f32 $0xffff, v3;
	v3 =	vadd.f32 v9, v5;
	v5 =	vmul.f32 v24, v23;
	v9 =	vmul.f32 v26, v25  }
0x70: {  	v14 =	vld [tilespmem:s0+$0x4480];
	(xrf2) =	vadd.scan.msk.f32 $0xffff, v0;
	v0 =	vadd.f32 v7, v1;
	v1 =	vmul.f32 v28, v27;
	v7 =	vmul.f32 v30, v29  }
0x71: {  	v15 =	vld [tilespmem:s0+$0x490];
	(xrf2) =	vadd.scan.msk.f32 $0xffff, v3;
	v3 =	vadd.f32 v9, v5;
	v5 =	vmul.f32 v33, v32;
	v9 =	vmul.f32 v35, v34  }
0x72: {  	v16 =	vld [tilespmem:s0+$0x4490];
	(xrf2) =	vadd.scan.msk.f32 $0xffff, v0;
	v0 =	vadd.f32 v7, v1;
	v1 =	vmul.f32 v37, v36;
	v7 =	vmul.f32 v39, v38  }
0x73: {  	v2 =	vmul.f32 v6, v2;
	v6 =	vld [tilespmem:s0+$0x44E0];
	(xrf2) =	vadd.scan.msk.f32 $0xffff, v3;
	v3 =	vadd.f32 v9, v5  }
0x74: {  	v5 =	vmul.f32 v40, v41;
	(xrf2) =	vadd.scan.msk.f32 $0xffff, v0;
	v0 =	vadd.f32 v7, v1;
	v1 =	vmul.f32 v10, v8;
	v8 =	vld [tilespmem:s0+$0x4F0]  }
0x75: {  	v7 =	vmul.f32 v12, v11;
	v10 =	vld [tilespmem:s0+$0x4550]  }
0x76: {  	(xrf2) =	vadd.scan.msk.f32 $0xffff, v3;
	v2 =	vadd.f32 v2, v5;
	v3 =	vld [tilespmem:s0+$0x44F0]  }
0x77: {  	(xrf2) =	vadd.scan.msk.f32 $0xffff, v0;
	v0 =	vadd.f32 v7, v1;
	v1 =	vld [tilespmem:s0+$0x4540]  }
0x78: {  	v5 =	vmul.f32 v16, v15;
	v7 =	vld [tilespmem:s0+$0x550];
	(xrf2) =	vadd.scan.msk.f32 $0xffff, v2;
	v2 =	vmul.f32 v14, v31  }
0x79: {  	v14 =	vld [tilespmem:s0+$0x45B0]  }
0x7a: {  	v9, _, _ =	vpop (xrf2);
	(xrf2) =	vadd.scan.msk.f32 $0xffff, v0;
	v2 =	vadd.f32 v5, v2;
	v5 =	vld [tilespmem:s0+$0x45A0]  }
0x7b: {  	v6 =	vmul.f32 v6, v22;
	v0, _, _ =	vpop (xrf2);
	v3 =	vmul.f32 v3, v8;
	v8 =	vld [tilespmem:s0+$0x5B0]  }
0x7c: {  	v11, _, _ =	vpop (xrf2)  }
0x7d: {  	v12, _, _ =	vpop (xrf2);
	v3 =	vadd.f32 v3, v6  }
0x7e: {  	(xrf2) =	vadd.scan.msk.f32 $0xffff, v2;
	v2, _, _ =	vpop (xrf2)  }
0x7f: {  	v1 =	vmul.f32 v1, v13;
	v7 =	vmul.f32 v10, v7;
	v15, _, _ =	vpop (xrf2)  }
0x80: {  	v4 =	vmul.f32 v5, v4;
	v13, _, _ =	vpop (xrf2);
	v5 =	vmul.f32 v14, v8  }
0x81: {  	v10 =	vld [tilespmem:s0+$0x45E0];
	(xrf2) =	vadd.scan.msk.f32 $0xffff, v3;
	v3, _, _ =	vpop (xrf2)  }
0x82: {  	v6 =	vld [tilespmem:s0+$0x5E0];
	v1 =	vadd.f32 v7, v1;
	v17, _, _ =	vpop (xrf2)  }
0x83: {  	v16 =	vld [tilespmem:s0+$0x5F0];
	v8, _, _ =	vpop (xrf2)  }
0x84: {  	v7 =	vld [tilespmem:s0+$0x45F0];
	(xrf2) =	vadd.scan.msk.f32 $0xffff, v1;
	v1 =	vadd.f32 v5, v4;
	v5, _, _ =	vpop (xrf2)  }
0x85: {  	v5 =	vbroadcast v5, $0xF;
	_ =	sdelay $0x1  }
0x86: {  	v4 =	vmul.f32 v10, v6;
	v6 =	vbroadcast v8, $0xF  }
0x87: {  	v8 =	vbroadcast v17, $0xF  }
0x88: {  	v3 =	vbroadcast v3, $0xF;
	v7 =	vmul.f32 v7, v16;
	(xrf2) =	vadd.scan.msk.f32 $0xffff, v1;
	v1 =	vsel vm0, v6, v5;
	v5, _, _ =	vpop (xrf2)  }
0x89: {  	v1 =	vsel vm1, v1, v8;
	v5 =	vbroadcast v5, $0xF  }
0x8a: {  	v4 =	vadd.f32 v7, v4;
	v1 =	vsel vm2, v1, v3;
	v3 =	vbroadcast v13, $0xF  }
0x8b: {  	v6, _, _ =	vpop (xrf2);
	v1 =	vsel vm3, v1, v5;
	v5 =	vbroadcast v15, $0xF  }
0x8c: {  	v1 =	vsel vm4, v1, v3;
	v3 =	vbroadcast v6, $0xF  }
0x8d: {  	v2 =	vbroadcast v2, $0xF;
	(xrf2) =	vadd.scan.msk.f32 $0xffff, v4;
	v1 =	vsel vm5, v1, v5  }
0x8e: {  	v4, _, _ =	vpop (xrf2);
	v1 =	vsel vm6, v1, v3;
	v3 =	vbroadcast v12, $0xF  }
0x8f: {  	v1 =	vsel vm7, v1, v2;
	v2 =	vbroadcast v4, $0xF  }
0x90: {  	v1 =	vsel vm8, v1, v3;
	v3 =	vbroadcast v11, $0xF  }
0x91: {  	v0 =	vbroadcast v0, $0xF;
	v1 =	vsel vm9, v1, v2  }
0x92: {  	v1 =	vsel vm10, v1, v3  }
0x93: {  	v2, _, _ =	vpop (xrf2);
	v0 =	vsel vm11, v1, v0;
	v1 =	vbroadcast v9, $0xF  }
0x94: {  	v2 =	vbroadcast v2, $0xF;
	_ =	sdelay $0x1  }
0x95: {  	v0 =	vsel vm12, v0, v2  }
0x96: {  	v0 =	vsel vm13, v0, v1;
	v1, _, _ =	vpop (xrf2)  }
0x97: {  	v0 =	vsel vm14, v0, v1  }
0x98: {  	s31 =	simm.s32 $0x200;
	[tilespmem:s28+$0x0] =	vst v0  }
0x99: {  	v2 =	vld [tilespmem:s31+$0x5C0]  }
0x9a: {  	v3 =	vld [tilespmem:s31+$0x45C0]  }
0x9b: {  	v5 =	vld [tilespmem:s31+$0x5D0]  }
0x9c: {  	v6 =	vld [tilespmem:s31+$0x45D0]  }
0x9d: {  	v0 =	vld [tilespmem:s31+$0x5A0]  }
0x9e: {  	v7 =	vld [tilespmem:s31+$0x580]  }
0x9f: {  	v8 =	vld [tilespmem:s31+$0x4580]  }
0xa0: {  	v9 =	vld [tilespmem:s31+$0x590]  }
0xa1: {  	v10 =	vld [tilespmem:s31+$0x4590]  }
0xa2: {  	v11 =	vld [tilespmem:s31+$0x560]  }
0xa3: {  	v12 =	vld [tilespmem:s31+$0x4560]  }
0xa4: {  	v13 =	vld [tilespmem:s31+$0x570]  }
0xa5: {  	v14 =	vld [tilespmem:s31+$0x4570]  }
0xa6: {  	v1 =	vld [tilespmem:s31+$0x540]  }
0xa7: {  	v15 =	vld [tilespmem:s31+$0x520]  }
0xa8: {  	v16 =	vld [tilespmem:s31+$0x4520]  }
0xa9: {  	v17 =	vld [tilespmem:s31+$0x530]  }
0xaa: {  	v18 =	vld [tilespmem:s31+$0x4530]  }
0xab: {  	v19 =	vld [tilespmem:s31+$0x500]  }
0xac: {  	v54 =	vld [tilespmem:s31+$0x4500]  }
0xad: {  	v55 =	vld [tilespmem:s31+$0x510]  }
0xae: {  	v56 =	vld [tilespmem:s31+$0x4510]  }
0xaf: {  	v4 =	vld [tilespmem:s31+$0x4E0]  }
0xb0: {  	v57 =	vld [tilespmem:s31+$0x4C0]  }
0xb1: {  	v58 =	vld [tilespmem:s31+$0x44C0]  }
0xb2: {  	v59 =	vld [tilespmem:s31+$0x4D0]  }
0xb3: {  	v60 =	vld [tilespmem:s31+$0x44D0];
	v2 =	vmul.f32 v3, v2;
	v3 =	vmul.f32 v6, v5  }
0xb4: {  	v61 =	vld [tilespmem:s31+$0x4A0];
	v6 =	vmul.f32 v8, v7;
	v8 =	vmul.f32 v10, v9  }
0xb5: {  	v62 =	vld [tilespmem:s31+$0x44A0];
	v2 =	vadd.f32 v3, v2  }
0xb6: {  	v63 =	vld [tilespmem:s31+$0x4450];
	v9 =	vmul.f32 v14, v13;
	v3 =	vmul.f32 v12, v11;
	v6 =	vadd.f32 v8, v6  }
0xb7: {  	v5 =	vld [tilespmem:s31+$0x4B0];
	v8 =	vmul.f32 v16, v15;
	v11 =	vmul.f32 v18, v17;
	(xrf2) =	vadd.scan.msk.f32 $0xffff, v2  }
0xb8: {  	v10 =	vld [tilespmem:s31+$0x44B0];
	v2 =	vadd.f32 v9, v3;
	(xrf2) =	vadd.scan.msk.f32 $0xffff, v6  }
0xb9: {  	v7 =	vld [tilespmem:s31+$0x480];
	v3 =	vadd.f32 v11, v8  }
0xba: {  	v13 =	vld [tilespmem:s31+$0x460];
	(xrf2) =	vadd.scan.msk.f32 $0xffff, v2  }
0xbb: {  	v14 =	vld [tilespmem:s31+$0x4460];
	v2 =	vmul.f32 v54, v19;
	(xrf2) =	vadd.scan.msk.f32 $0xffff, v3;
	v3 =	vmul.f32 v56, v55  }
0xbc: {  	v16 =	vld [tilespmem:s31+$0x440]  }
0xbd: {  	v11 =	vld [tilespmem:s31+$0x4470];
	v3 =	vadd.f32 v3, v2  }
0xbe: {  	v12 =	vmul.f32 v58, v57;
	v15 =	vmul.f32 v60, v59;
	v6 =	vld [tilespmem:s31+$0x470]  }
0xbf: {  	v17 =	vld [tilespmem:s31+$0x4440];
	(xrf2) =	vadd.scan.msk.f32 $0xffff, v3  }
0xc0: {  	v18 =	vld [tilespmem:s31+$0x450];
	v15 =	vadd.f32 v15, v12  }
0xc1: {  	v8 =	vld [tilespmem:s31+$0x4400];
	v5 =	vmul.f32 v10, v5;
	v19 =	vmul.f32 v62, v61;
	v2, _, _ =	vpop (xrf2)  }
0xc2: {  	v9 =	vld [tilespmem:s31+$0x400];
	v3, _, _ =	vpop (xrf2);
	(xrf2) =	vadd.scan.msk.f32 $0xffff, v15  }
0xc3: {  	v12 =	vld [tilespmem:s31+$0x4410];
	v19 =	vadd.f32 v5, v19;
	v6 =	vmul.f32 v11, v6  }
0xc4: {  	v10 =	vld [tilespmem:s31+$0x410];
	v14 =	vmul.f32 v14, v13  }
0xc5: {  	v13 =	vld [tilespmem:s31+$0x4420];
	(xrf2) =	vadd.scan.msk.f32 $0xffff, v19  }
0xc6: {  	v11 =	vld [tilespmem:s31+$0x420];
	v15 =	vadd.f32 v6, v14;
	v5, _, _ =	vpop (xrf2)  }
0xc7: {  	s30 =	simm.s32 $0x8400;
	s0 =	simm.s32 $0x1000;
	v16 =	vmul.f32 v17, v16;
	v17 =	vmul.f32 v63, v18;
	v14 =	vld [tilespmem:s31+$0x430];
	v6, _, _ =	vpop (xrf2)  }
.LBB2_2:
0xc8: {  	p0 =	sne.s32 s0, $0xF800;
	v18 =	vld [tilespmem:s31+$0x4430];
	(xrf2) =	vadd.scan.msk.f32 $0xffff, v15  }
0xc9: {  	v19 =	vadd.f32 v17, v16;
	v16 =	vld [tilespmem:s31+$0x4480];
	v17, _, _ =	vpop (xrf2)  }
0xca: {  	v8 =	vmul.f32 v8, v9;
	v9 =	vmul.f32 v12, v10;
	v10 =	vld [tilespmem:s31+$0x490]  }
0xcb: {  	v12 =	vld [tilespmem:s31+$0x4490];
	(xrf2) =	vadd.scan.msk.f32 $0xffff, v19  }
0xcc: {  	v8 =	vadd.f32 v9, v8;
	v9 =	vld [tilespmem:s31+$0x44E0];
	v15, _, _ =	vpop (xrf2)  }
0xcd: {  	v11 =	vmul.f32 v13, v11;
	v19 =	vmul.f32 v18, v14;
	v14 =	vld [tilespmem:s31+$0x4F0]  }
0xce: {  	v18 =	vld [tilespmem:s31+$0x44F0];
	(xrf2) =	vadd.scan.msk.f32 $0xffff, v8  }
0xcf: {  	v8 =	vadd.f32 v19, v11;
	v11 =	vld [tilespmem:s31+$0x4540];
	v13, _, _ =	vpop (xrf2)  }
0xd0: {  	v7 =	vmul.f32 v16, v7;
	v19 =	vmul.f32 v12, v10;
	v12 =	vld [tilespmem:s31+$0x550]  }
0xd1: {  	v16 =	vld [tilespmem:s31+$0x4550];
	(xrf2) =	vadd.scan.msk.f32 $0xffff, v8  }
0xd2: {  	v7 =	vadd.f32 v19, v7;
	v8 =	vld [tilespmem:s31+$0x45A0];
	v10, _, _ =	vpop (xrf2)  }
0xd3: {  	v4 =	vmul.f32 v9, v4;
	v19 =	vmul.f32 v18, v14;
	v14 =	vld [tilespmem:s31+$0x5B0]  }
0xd4: {  	v18 =	vld [tilespmem:s31+$0x45B0];
	(xrf2) =	vadd.scan.msk.f32 $0xffff, v7  }
0xd5: {  	v4 =	vadd.f32 v19, v4;
	v7 =	vld [tilespmem:s31+$0x5E0];
	v9, _, _ =	vpop (xrf2)  }
0xd6: {  	v1 =	vmul.f32 v11, v1;
	v19 =	vmul.f32 v16, v12;
	v12 =	vld [tilespmem:s31+$0x45E0]  }
0xd7: {  	v16 =	vld [tilespmem:s31+$0x5F0];
	(xrf2) =	vadd.scan.msk.f32 $0xffff, v4  }
0xd8: {  	v1 =	vadd.f32 v19, v1;
	v4 =	vld [tilespmem:s31+$0x45F0];
	v11, _, _ =	vpop (xrf2)  }
0xd9: {  	v0 =	vmul.f32 v8, v0;
	v8 =	vmul.f32 v18, v14  }
0xda: {  	(xrf2) =	vadd.scan.msk.f32 $0xffff, v1  }
0xdb: {  	v0 =	vadd.f32 v8, v0;
	v1 =	vmul.f32 v12, v7;
	v7, _, _ =	vpop (xrf2)  }
0xdc: {  	v11 =	vbroadcast v11, $0xF;
	v7 =	vbroadcast v7, $0xF  }
0xdd: {  	v9 =	vbroadcast v9, $0xF;
	v4 =	vmul.f32 v4, v16;
	(xrf2) =	vadd.scan.msk.f32 $0xffff, v0  }
0xde: {  	v0 =	vsel vm0, v11, v7;
	v7 =	vbroadcast v10, $0xF;
	v8, _, _ =	vpop (xrf2)  }
0xdf: {  	v0 =	vsel vm1, v0, v9;
	v9 =	vbroadcast v8, $0xF;
	v1 =	vadd.f32 v4, v1  }
0xe0: {  	v4 =	vbroadcast v13, $0xF;
	v0 =	vsel vm2, v0, v7  }
0xe1: {  	v7 =	vbroadcast v15, $0xF;
	v0 =	vsel vm3, v0, v9;
	v8, _, _ =	vpop (xrf2);
	(xrf2) =	vadd.scan.msk.f32 $0xffff, v1  }
0xe2: {  	v0 =	vsel vm4, v0, v4;
	v1 =	vbroadcast v8, $0xF  }
0xe3: {  	v4 =	vbroadcast v17, $0xF;
	v0 =	vsel vm5, v0, v7  }
0xe4: {  	v0 =	vsel vm6, v0, v1;
	v1 =	vbroadcast v6, $0xF;
	v6, _, _ =	vpop (xrf2)  }
0xe5: {  	v0 =	vsel vm7, v0, v4;
	v6 =	vbroadcast v6, $0xF  }
0xe6: {  	v0 =	vsel vm8, v0, v1;
	v1 =	vbroadcast v5, $0xF  }
0xe7: {  	v3 =	vbroadcast v3, $0xF;
	v0 =	vsel vm9, v0, v6;
	v4, _, _ =	vpop (xrf2)  }
0xe8: {  	v0 =	vsel vm10, v0, v1;
	v4 =	vbroadcast v4, $0xF  }
0xe9: {  	v2 =	vbroadcast v2, $0xF;
	v0 =	vsel vm11, v0, v3  }
0xea: {  	v0 =	vsel vm12, v0, v4  }
0xeb: {  	v0 =	vsel vm13, v0, v2;
	v1, _, _ =	vpop (xrf2)  }
0xec: {  	s30 =	sadd.s32 $0x10, s30;
	v0 =	vsel vm14, v0, v1  }
0xed: {  	s31 =	sshra.s32 s0, $0x2;
	[tilespmem:s30+$0x0] =	vst v0  }
0xee: {  	v2 =	vld [tilespmem:s31+$0x5C0]  }
0xef: {  	v3 =	vld [tilespmem:s31+$0x45C0]  }
0xf0: {  	v5 =	vld [tilespmem:s31+$0x5D0]  }
0xf1: {  	v6 =	vld [tilespmem:s31+$0x45D0]  }
0xf2: {  	v0 =	vld [tilespmem:s31+$0x5A0]  }
0xf3: {  	v7 =	vld [tilespmem:s31+$0x580]  }
0xf4: {  	v8 =	vld [tilespmem:s31+$0x4580]  }
0xf5: {  	v9 =	vld [tilespmem:s31+$0x590]  }
0xf6: {  	v10 =	vld [tilespmem:s31+$0x4590]  }
0xf7: {  	v11 =	vld [tilespmem:s31+$0x560]  }
0xf8: {  	v12 =	vld [tilespmem:s31+$0x4560]  }
0xf9: {  	v13 =	vld [tilespmem:s31+$0x570]  }
0xfa: {  	v14 =	vld [tilespmem:s31+$0x4570]  }
0xfb: {  	v1 =	vld [tilespmem:s31+$0x540]  }
0xfc: {  	v15 =	vld [tilespmem:s31+$0x520]  }
0xfd: {  	v16 =	vld [tilespmem:s31+$0x4520]  }
0xfe: {  	v17 =	vld [tilespmem:s31+$0x530]  }
0xff: {  	v18 =	vld [tilespmem:s31+$0x4530]  }
0x100: {  	v19 =	vld [tilespmem:s31+$0x500]  }
0x101: {  	v20 =	vld [tilespmem:s31+$0x4500]  }
0x102: {  	v21 =	vld [tilespmem:s31+$0x510]  }
0x103: {  	v22 =	vld [tilespmem:s31+$0x4510]  }
0x104: {  	v2 =	vmul.f32 v3, v2;
	v3 =	vmul.f32 v6, v5;
	v4 =	vld [tilespmem:s31+$0x4E0]  }
0x105: {  	v5 =	vld [tilespmem:s31+$0x4C0]  }
0x106: {  	v2 =	vadd.f32 v3, v2;
	v6 =	vld [tilespmem:s31+$0x44C0]  }
0x107: {  	v7 =	vmul.f32 v8, v7;
	v8 =	vmul.f32 v10, v9;
	v3 =	vld [tilespmem:s31+$0x4D0]  }
0x108: {  	v9 =	vld [tilespmem:s31+$0x44D0];
	(xrf2) =	vadd.scan.msk.f32 $0xffff, v2  }
0x109: {  	v2 =	vadd.f32 v8, v7;
	v10 =	vld [tilespmem:s31+$0x4A0]  }
0x10a: {  	v7 =	vmul.f32 v12, v11;
	v8 =	vmul.f32 v14, v13;
	v23 =	vld [tilespmem:s31+$0x44A0]  }
0x10b: {  	v11 =	vld [tilespmem:s31+$0x4B0];
	(xrf2) =	vadd.scan.msk.f32 $0xffff, v2  }
0x10c: {  	v2 =	vadd.f32 v8, v7;
	v12 =	vld [tilespmem:s31+$0x44B0]  }
0x10d: {  	v13 =	vmul.f32 v18, v17;
	v8 =	vmul.f32 v16, v15;
	v7 =	vld [tilespmem:s31+$0x480]  }
0x10e: {  	v14 =	vld [tilespmem:s31+$0x460];
	(xrf2) =	vadd.scan.msk.f32 $0xffff, v2  }
0x10f: {  	v24 =	vadd.f32 v13, v8;
	v15 =	vld [tilespmem:s31+$0x4460]  }
0x110: {  	v16 =	vmul.f32 v22, v21;
	v8 =	vmul.f32 v20, v19;
	v13 =	vld [tilespmem:s31+$0x470]  }
0x111: {  	v17 =	vld [tilespmem:s31+$0x4470];
	(xrf2) =	vadd.scan.msk.f32 $0xffff, v24  }
0x112: {  	v8 =	vadd.f32 v16, v8;
	v18 =	vld [tilespmem:s31+$0x440];
	v2, _, _ =	vpop (xrf2)  }
0x113: {  	v5 =	vmul.f32 v6, v5;
	v6 =	vmul.f32 v9, v3;
	v16 =	vld [tilespmem:s31+$0x4440]  }
0x114: {  	v19 =	vld [tilespmem:s31+$0x450];
	(xrf2) =	vadd.scan.msk.f32 $0xffff, v8  }
0x115: {  	v21 =	vadd.f32 v6, v5;
	v20 =	vld [tilespmem:s31+$0x4450];
	v3, _, _ =	vpop (xrf2)  }
0x116: {  	v6 =	vmul.f32 v23, v10;
	v11 =	vmul.f32 v12, v11;
	v8 =	vld [tilespmem:s31+$0x4400]  }
0x117: {  	v9 =	vld [tilespmem:s31+$0x400];
	(xrf2) =	vadd.scan.msk.f32 $0xffff, v21  }
.Ltmp0:
0x118: {  	v21 =	vadd.f32 v11, v6;
	v10 =	vld [tilespmem:s31+$0x410];
	v5, _, _ =	vpop (xrf2);
	(pc) =	sbr.rel @p0 .LBB2_2-.Ltmp0, $4  }
0x119: {  	v14 =	vmul.f32 v15, v14;
	v15 =	vmul.f32 v17, v13;
	v12 =	vld [tilespmem:s31+$0x4410]  }
0x11a: {  	v11 =	vld [tilespmem:s31+$0x420];
	(xrf2) =	vadd.scan.msk.f32 $0xffff, v21  }
0x11b: {  	v15 =	vadd.f32 v15, v14;
	v13 =	vld [tilespmem:s31+$0x4420];
	v6, _, _ =	vpop (xrf2)  }
0x11c: {  	s0 =	sadd.s32 $0x800, s0;
	v16 =	vmul.f32 v16, v18;
	v17 =	vmul.f32 v20, v19;
	v14 =	vld [tilespmem:s31+$0x430]  }
0x11d: {  	v18 =	vld [tilespmem:s31+$0x4430]  }
0x11e: {  	v19 =	vld [tilespmem:s31+$0x4480]  }
0x11f: {  	v20 =	vld [tilespmem:s31+$0x490]  }
0x120: {  	v21 =	vld [tilespmem:s31+$0x4490]  }
0x121: {  	v8 =	vmul.f32 v8, v9;
	v63 =	vld [tilespmem:s31+$0x44E0];
	v62 =	vmul.f32 v12, v10  }
0x122: {  	v24 =	vld [tilespmem:s31+$0x4F0];
	v22 =	vadd.f32 v17, v16;
	v11 =	vmul.f32 v13, v11;
	v23 =	vmul.f32 v18, v14  }
0x123: {  	(xrf2) =	vadd.scan.msk.f32 $0xffff, v15;
	v25 =	vld [tilespmem:s31+$0x44F0];
	v8 =	vadd.f32 v62, v8  }
0x124: {  	v26 =	vld [tilespmem:s31+$0x4540];
	(xrf2) =	vadd.scan.msk.f32 $0xffff, v22;
	v11 =	vadd.f32 v23, v11  }
0x125: {  	v28 =	vld [tilespmem:s31+$0x550];
	(xrf2) =	vadd.scan.msk.f32 $0xffff, v8;
	v7 =	vmul.f32 v19, v7;
	v27 =	vmul.f32 v21, v20  }
0x126: {  	v29 =	vld [tilespmem:s31+$0x4550];
	(xrf2) =	vadd.scan.msk.f32 $0xffff, v11  }
0x127: {  	v30 =	vld [tilespmem:s31+$0x45A0];
	v7 =	vadd.f32 v27, v7  }
0x128: {  	v31 =	vld [tilespmem:s31+$0x5B0];
	v4 =	vmul.f32 v63, v4;
	v9 =	vmul.f32 v25, v24  }
0x129: {  	v32 =	vld [tilespmem:s31+$0x45B0];
	(xrf2) =	vadd.scan.msk.f32 $0xffff, v7  }
0x12a: {  	v34 =	vld [tilespmem:s31+$0x5E0];
	v33, _, _ =	vpop (xrf2);
	v4 =	vadd.f32 v9, v4  }
0x12b: {  	v37 =	vld [tilespmem:s31+$0x45E0];
	v35, _, _ =	vpop (xrf2);
	v1 =	vmul.f32 v26, v1;
	v36 =	vmul.f32 v29, v28  }
0x12c: {  	v39 =	vld [tilespmem:s31+$0x5F0];
	v38, _, _ =	vpop (xrf2);
	(xrf2) =	vadd.scan.msk.f32 $0xffff, v4  }
0x12d: {  	v41 =	vld [tilespmem:s31+$0x45F0];
	v1 =	vadd.f32 v36, v1;
	v40, _, _ =	vpop (xrf2)  }
0x12e: {  	v0 =	vmul.f32 v30, v0;
	v43 =	vmul.f32 v32, v31;
	v42, _, _ =	vpop (xrf2)  }
0x12f: {  	(xrf2) =	vadd.scan.msk.f32 $0xffff, v1;
	v44, _, _ =	vpop (xrf2)  }
0x130: {  	v45 =	vmul.f32 v37, v34;
	v0 =	vadd.f32 v43, v0;
	v46, _, _ =	vpop (xrf2)  }
0x131: {  	v47 =	vbroadcast v44, $0xF;
	v8 =	vbroadcast v46, $0xF  }
0x132: {  	v49 =	vmul.f32 v41, v39;
	(xrf2) =	vadd.scan.msk.f32 $0xffff, v0;
	v48 =	vbroadcast v42, $0xF  }
0x133: {  	v4 =	vbroadcast v40, $0xF;
	v51, _, _ =	vpop (xrf2);
	v50 =	vsel vm0, v47, v8  }
0x134: {  	v1 =	vadd.f32 v49, v45;
	v8 =	vbroadcast v51, $0xF;
	v0 =	vsel vm1, v50, v48  }
0x135: {  	v52 =	vbroadcast v38, $0xF;
	v0 =	vsel vm2, v0, v4  }
0x136: {  	v53 =	vbroadcast v35, $0xF;
	v54, _, _ =	vpop (xrf2);
	(xrf2) =	vadd.scan.msk.f32 $0xffff, v1;
	v0 =	vsel vm3, v0, v8  }
0x137: {  	v55 =	vbroadcast v54, $0xF;
	v0 =	vsel vm4, v0, v52  }
0x138: {  	v56 =	vbroadcast v33, $0xF;
	v0 =	vsel vm5, v0, v53  }
0x139: {  	v57 =	vbroadcast v6, $0xF;
	v58, _, _ =	vpop (xrf2);
	v0 =	vsel vm6, v0, v55  }
0x13a: {  	v59 =	vbroadcast v58, $0xF;
	v0 =	vsel vm7, v0, v56  }
0x13b: {  	v60 =	vbroadcast v5, $0xF;
	v0 =	vsel vm8, v0, v57  }
0x13c: {  	v3 =	vbroadcast v3, $0xF;
	v61, _, _ =	vpop (xrf2);
	v0 =	vsel vm9, v0, v59  }
0x13d: {  	v62 =	vbroadcast v61, $0xF;
	v0 =	vsel vm10, v0, v60  }
0x13e: {  	v2 =	vbroadcast v2, $0xF;
	v0 =	vsel vm11, v0, v3  }
0x13f: {  	v0 =	vsel vm12, v0, v62  }
0x140: {  	s29 =	sadd.s32 $0x1, s29;
	v63, _, _ =	vpop (xrf2);
	v0 =	vsel vm13, v0, v2  }
0x141: {  	s0 =	sadd.s32 $0x10, s30;
	p0 =	sne.s32 s29, s8;
	v0 =	vsel vm14, v0, v63  }
.Ltmp1:
0x142: {  	[tilespmem:s0+$0x0] =	vst v0;
	(pc) =	sbr.rel @p0 .LBB2_1-.Ltmp1, $4  }
0x143: {  	[hbm4b:s7+s1] =	stream.linear.scatter [tilespmem:s28], [sflag:$0x3], $0x200, $0x38;
	[tilespmem:$0x8600] =	vst v63  }
0x144: {  	_ =	swait.ge [sflag:s9], $0x200  }
0x145: {  	[sflag:s9] =	ssyncset.done $0x0  }
0x146: {  	[sflag:s9] =	ssyncadd.s32 $0xFFFFFE00  }
0x147: {  	_ =	sfence.sel $0x180000  }
0x148: {  	[bflag:$0x0] =	sbarrier.arrive $0xFFFF  }
0x149: {  	_ =	strace $0x90000047  }
0x14a: {  	[bflag:$0x2] =	sbarrier.arrive $0xFFFF  }
0x14b: {  	p0 =	sne.s32 s2, $0x0;
	s0 =	rddreg [dreg:$0x4]  }
0x14c: {  	s0 =	sadd.s32 @!p0 $0x100000, s0  }
0x14d: {  	[sflag:s0] =	ssyncadd.tile.s32 @!p0 $0x1;
	_ =	shalt  }
.Lfunc_end2:
_tile_overlayer_lowered:
.L_overlay_start_2:
0x14e: {  	(tag) =	ssettag $0x2  }
0x14f: {  	s0 =	rddreg [dreg:$0x0];
	s2 =	stileid.u32  }
0x150: {  	s1 =	rddreg [dreg:$0x1];
	p0 =	sne.s32 s2, $0x0  }
0x151: {  	s3 =	rddreg [dreg:$0x2];
	[bflag:$0x3] =	sbarrier.arrive $0xFFFF;
	s2 =	simm.s32 @!p0 $0x1C03  }
0x152: {  	[timem:s3], [sflag:s2] =	dma.local @!p0 [hbm:s0], s1  }
0x153: {  	s0 =	simm.s32 @!p0 $0x3  }
0x154: {  	_ =	swait.ge @!p0 [sflag:s0], s1  }
0x155: {  	s1 =	ssub.s32 @!p0 $0x0, s1;
	[sflag:s0] =	ssyncset.done @!p0 $0x0  }
0x156: {  	[sflag:s0] =	ssyncadd.s32 @!p0 s1  }
0x157: {  	[bflag:$0x3] =	sbarrier.arrive $0xFFFF  }
0x158: {  	_ =	shalt  }

</sc_bundles>
